<compile_context>
chip_gen: v7x
topology: tpu7x:2x2x1
jax: 0.10.2.dev20260603
libtpu: 0.0.44.dev20260713+nightly
codegen_flags: <defaults>
</compile_context>

<pallas_src>
import functools

import jax
import jax.numpy as jnp
from jax import lax
from jax.experimental import pallas as pl
from jax.experimental.pallas import tpu as pltpu
from jax.experimental.pallas import tpu_sc as plsc

_N = 10000
_M = 5000
_NNZ = 320000
_K = 128
_KE = 144
_MP = 5120
_NP = 10240
_NC = 2
_NS = 16
_NW = _NC * _NS
_PER_W = _NNZ // _NW
_EPS = 1e-12


def _chunks(total, step):
    out, o = [], 0
    while o < total:
        l = min(step, total - o)
        out.append((o, l))
        o += l
    return out


def _softmax_ext_body(y_ref, o_ref):
    y = y_ref[...]
    m = jnp.max(y, axis=1, keepdims=True)
    e = jnp.exp(y - m)
    p = e / jnp.sum(e, axis=1, keepdims=True)
    lane = lax.broadcasted_iota(jnp.int32, (y.shape[0], _KE - _K), 1)
    ext = jnp.where(lane == 0, 1.0, 0.0).astype(jnp.float32)
    o_ref[...] = jnp.concatenate([p, ext], axis=1)


def _softmax_ext(y):
    br = 1000
    return pl.pallas_call(
        _softmax_ext_body,
        grid=(_N // br,),
        in_specs=[pl.BlockSpec((br, _K), lambda i: (i, 0))],
        out_specs=pl.BlockSpec((br, _KE), lambda i: (i, 0)),
        out_shape=jax.ShapeDtypeStruct((_N, _KE), jnp.float32),
    )(y)


def _make_sc_segment_sum_stream_idx(S, G):
    rs = S // _NS
    C = _PER_W // G
    mesh = plsc.VectorSubcoreMesh(core_axis_name="c", subcore_axis_name="s")

    @functools.partial(
        pl.kernel,
        out_type=jax.ShapeDtypeStruct((_NC, S, _KE), jnp.float32),
        mesh=mesh,
        scratch_types=[
            pltpu.VMEM((G,), jnp.int32),
            pltpu.VMEM((G,), jnp.int32),
            pltpu.VMEM((G,), jnp.int32),
            pltpu.VMEM((G,), jnp.int32),
            pltpu.VMEM((G, _KE), jnp.float32),
            pltpu.VMEM((G, _KE), jnp.float32),
            pltpu.VMEM_SHARED((S, _KE), jnp.float32),
            pltpu.SemaphoreType.DMA,
            pltpu.SemaphoreType.DMA,
            pltpu.SemaphoreType.DMA,
            pltpu.SemaphoreType.DMA,
        ],
        compiler_params=pltpu.CompilerParams(use_tc_tiling_on_sc=False),
    )
    def agg(table_hbm, g_hbm, s_hbm, z_hbm, out_hbm,
            gi0, gi1, si0, si1, rows0_v, rows1_v, acc_sh,
            isem0, isem1, sem0, sem1):
        cid = lax.axis_index("c")
        sid = lax.axis_index("s")
        wid = sid * _NC + cid
        pltpu.sync_copy(z_hbm, rows0_v)
        base = sid * rs
        for o, l in _chunks(rs, min(G, 120) // 8 * 8):
            pltpu.sync_copy(rows0_v.at[pl.ds(0, l)],
                            acc_sh.at[pl.ds(base + o, l)])
        plsc.subcore_barrier()

        def ifetch(j, gbuf, sbuf, isem):
            a = pltpu.make_async_copy(g_hbm.at[wid, j], gbuf, isem)
            b = pltpu.make_async_copy(s_hbm.at[wid, j], sbuf, isem)
            return a, b

        def istart(j, gbuf, sbuf, isem):
            a, b = ifetch(j, gbuf, sbuf, isem)
            a.start()
            b.start()

        def iwait(j, gbuf, sbuf, isem):
            a, b = ifetch(j, gbuf, sbuf, isem)
            a.wait()
            b.wait()

        def gcopy(buf, ibuf, sem):
            return pltpu.make_async_copy(table_hbm.at[ibuf], buf, sem)

        istart(0, gi0, si0, isem0)
        iwait(0, gi0, si0, isem0)
        gcopy(rows0_v, gi0, sem0).start()
        istart(1, gi1, si1, isem1)

        def step(jj, carry):
            j0 = jj * 2
            j1 = j0 + 1
            gcopy(rows0_v, gi0, sem0).wait()
            iwait(j1, gi1, si1, isem1)
            gcopy(rows1_v, gi1, sem1).start()
            pltpu.sync_copy(rows0_v, acc_sh.at[si0], add=True)

            @pl.when(j0 + 2 < C)
            def _():
                istart(j0 + 2, gi0, si0, isem0)

            gcopy(rows1_v, gi1, sem1).wait()

            @pl.when(j0 + 2 < C)
            def _():
                iwait(j0 + 2, gi0, si0, isem0)
                gcopy(rows0_v, gi0, sem0).start()

            pltpu.sync_copy(rows1_v, acc_sh.at[si1], add=True)

            @pl.when(j1 + 2 < C)
            def _():
                istart(j1 + 2, gi1, si1, isem1)

            return carry

        lax.fori_loop(0, C // 2, step, 0)
        plsc.subcore_barrier()
        for o, l in _chunks(rs, min(G, 120) // 8 * 8):
            pltpu.sync_copy(acc_sh.at[pl.ds(base + o, l)],
                            rows0_v.at[pl.ds(0, l)])
            pltpu.sync_copy(rows0_v.at[pl.ds(0, l)],
                            out_hbm.at[cid, pl.ds(base + o, l)])

    return agg


def _make_sc_segment_sum(S, G):
    rs = S // _NS
    C = _PER_W // G
    mesh = plsc.VectorSubcoreMesh(core_axis_name="c", subcore_axis_name="s")

    @functools.partial(
        pl.kernel,
        out_type=jax.ShapeDtypeStruct((_NC, S, _KE), jnp.float32),
        mesh=mesh,
        scratch_types=[
            pltpu.VMEM((C, G), jnp.int32),
            pltpu.VMEM((C, G), jnp.int32),
            pltpu.VMEM((G, _KE), jnp.float32),
            pltpu.VMEM((G, _KE), jnp.float32),
            pltpu.VMEM_SHARED((S, _KE), jnp.float32),
            pltpu.SemaphoreType.DMA,
            pltpu.SemaphoreType.DMA,
        ],
        compiler_params=pltpu.CompilerParams(use_tc_tiling_on_sc=False),
    )
    def agg(table_hbm, g_hbm, s_hbm, z_hbm, out_hbm,
            gi_v, si_v, rows0_v, rows1_v, acc_sh, sem0, sem1):
        cid = lax.axis_index("c")
        sid = lax.axis_index("s")
        wid = sid * _NC + cid
        pltpu.sync_copy(g_hbm.at[wid], gi_v)
        pltpu.sync_copy(s_hbm.at[wid], si_v)
        pltpu.sync_copy(z_hbm, rows0_v)
        base = sid * rs
        for o, l in _chunks(rs, min(G, 120) // 8 * 8):
            pltpu.sync_copy(rows0_v.at[pl.ds(0, l)],
                            acc_sh.at[pl.ds(base + o, l)])
        plsc.subcore_barrier()

        def gcopy(j, buf, sem):
            return pltpu.make_async_copy(table_hbm.at[gi_v.at[j]], buf, sem)

        gcopy(0, rows0_v, sem0).start()

        def step(jj, carry):
            j0 = jj * 2
            j1 = j0 + 1
            gcopy(j0, rows0_v, sem0).wait()
            gcopy(j1, rows1_v, sem1).start()
            pltpu.sync_copy(rows0_v, acc_sh.at[si_v.at[j0]], add=True)
            gcopy(j1, rows1_v, sem1).wait()

            @pl.when(j0 + 2 < C)
            def _():
                gcopy(j0 + 2, rows0_v, sem0).start()

            pltpu.sync_copy(rows1_v, acc_sh.at[si_v.at[j1]], add=True)
            return carry

        lax.fori_loop(0, C // 2, step, 0)
        plsc.subcore_barrier()
        for o, l in _chunks(rs, min(G, 120) // 8 * 8):
            pltpu.sync_copy(acc_sh.at[pl.ds(base + o, l)],
                            rows0_v.at[pl.ds(0, l)])
            pltpu.sync_copy(rows0_v.at[pl.ds(0, l)],
                            out_hbm.at[cid, pl.ds(base + o, l)])

    return agg


def _combine_body(ep_ref, o_ref):
    v = ep_ref[...]
    s = v[0] + v[1]
    cnt = s[:, _K:_K + 1]
    scale = 1.0 / jnp.maximum(cnt, 1.0)
    lane = lax.broadcasted_iota(jnp.int32, s.shape, 1)
    feat = s * scale
    o_ref[...] = jnp.where(lane == _K, 1.0, jnp.where(lane > _K, 0.0, feat))


def _combine(e_part):
    S = e_part.shape[1]
    br = S // 8
    return pl.pallas_call(
        _combine_body,
        grid=(8,),
        in_specs=[pl.BlockSpec((_NC, br, _KE), lambda i: (0, i, 0))],
        out_specs=pl.BlockSpec((br, _KE), lambda i: (i, 0)),
        out_shape=jax.ShapeDtypeStruct((S, _KE), jnp.float32),
    )(e_part)


def _final_body(vp_ref, p_ref, w_ref, b_ref, o_ref):
    v = vp_ref[...]
    s = v[0] + v[1]
    cnt = s[:, _K:_K + 1]
    vfeat = s[:, :_K] / jnp.maximum(cnt, 1.0)
    g = jnp.dot(vfeat, w_ref[...], preferred_element_type=jnp.float32)
    g = g + b_ref[...]
    sp = jnp.maximum(p_ref[...][:, :_K], _EPS)
    ng = sp * g
    o_ref[...] = ng - jnp.mean(ng, axis=1, keepdims=True)


def _final(v_part, probs_ext, W, b2):
    br = 1000
    return pl.pallas_call(
        _final_body,
        grid=(_N // br,),
        in_specs=[
            pl.BlockSpec((_NC, br, _KE), lambda i: (0, i, 0)),
            pl.BlockSpec((br, _KE), lambda i: (i, 0)),
            pl.BlockSpec((_K, _K), lambda i: (0, 0)),
            pl.BlockSpec((1, _K), lambda i: (0, 0)),
        ],
        out_specs=pl.BlockSpec((br, _K), lambda i: (i, 0)),
        out_shape=jax.ShapeDtypeStruct((_N, _K), jnp.float32),
    )(v_part, probs_ext, W, b2)


_GE = 125
_GN = 125
_sc_edge_agg = _make_sc_segment_sum(_MP, _GE)
_sc_node_agg = _make_sc_segment_sum_stream_idx(_NP, _GN)


def kernel(t, y, incidence, W, b):
    del t
    node_e = incidence[0].reshape(_NW, _PER_W // _GE, _GE)
    edge_e = incidence[1].reshape(_NW, _PER_W // _GE, _GE)
    node_n = incidence[0].reshape(_NW, _PER_W // _GN, _GN)
    edge_n = incidence[1].reshape(_NW, _PER_W // _GN, _GN)
    zrows_e = jnp.zeros((_GE, _KE), jnp.float32)
    zrows_n = jnp.zeros((_GN, _KE), jnp.float32)
    probs_ext = _softmax_ext(y)
    e_part = _sc_edge_agg(probs_ext, node_e, edge_e, zrows_e)
    e_feat = _combine(e_part)
    v_part = _sc_node_agg(e_feat, edge_n, node_n, zrows_n)
    return _final(v_part, probs_ext, W, b.reshape(1, _K))

# --- scband reference (transcript-rebuilt; emitter-appended) ---
"""Pipeline reference for scband-fisher-rao-drift-56281251446894 (READ-ONLY COPY).

The authoritative reference and input builder live on the scoring server;
editing this copy changes nothing except your own understanding.
"""

import jax, jax.numpy as jnp
import numpy as np

N = 10000      # nodes
M = 5000       # hyperedges
NNZ = 320000   # incidence entries (n_nodes * avg_degree)
K = 128        # simplex / feature dim
_EPS = 1e-12


def setup_inputs(seed: int = 0) -> dict:
    key = jax.random.key(seed)
    k1, k2, k3, k4, k5 = jax.random.split(key, 5)
    t = jnp.array(0.0, dtype=jnp.float32)
    y = jax.random.normal(k1, (N, K), dtype=jnp.float32)
    node_idx = jax.random.randint(k2, (NNZ,), 0, N)
    edge_idx = jax.random.randint(k3, (NNZ,), 0, M)
    incidence = jnp.stack([node_idx, edge_idx], axis=0).astype(jnp.int32)
    # learned parameters of the wrapped hypergraph conv (HGNN-style)
    W = (jax.random.normal(k4, (K, K), dtype=jnp.float32) / np.sqrt(K))
    b = jax.random.normal(k5, (K,), dtype=jnp.float32) * 0.01
    return {"t": t, "y": y, "incidence": incidence, "W": W, "b": b}


def _hypergraph_conv(x, incidence, W, b):
    # HGNN-style two-stage mean aggregation: nodes -> hyperedges -> nodes, then linear.
    node_idx = incidence[0]
    edge_idx = incidence[1]
    ones = jnp.ones((NNZ,), dtype=x.dtype)
    deg_e = jnp.clip(jax.ops.segment_sum(ones, edge_idx, num_segments=M), 1.0)
    deg_v = jnp.clip(jax.ops.segment_sum(ones, node_idx, num_segments=N), 1.0)
    # gather node features onto incidences, scatter-add into hyperedges
    e_feat = jax.ops.segment_sum(x[node_idx], edge_idx, num_segments=M) / deg_e[:, None]
    # gather hyperedge features back onto incidences, scatter-add into nodes
    v_feat = jax.ops.segment_sum(e_feat[edge_idx], node_idx, num_segments=N) / deg_v[:, None]
    return v_feat @ W + b


def reference(t, y, incidence, W, b):
    # FisherRaoDrift.__call__
    probs = jax.nn.softmax(y, axis=-1)
    euclidean_grad = _hypergraph_conv(probs, incidence, W, b)
    # natural_gradient: F^{-1} = diag(p) for categorical Fisher metric
    safe_p = jnp.clip(probs, _EPS, None)
    nat_grad = safe_p * euclidean_grad
    nat_grad = nat_grad - jnp.mean(nat_grad, axis=-1, keepdims=True)
    return nat_grad

if __name__ == "__main__":
    import jax
    _d = setup_inputs()
    print(jax.jit(kernel)(*tuple(_d.values())))

</pallas_src>

<mosaic_0001>
#map = affine_map<(d0, d1) -> (0, 0)>
#map1 = affine_map<(d0, d1) -> (0, 0, 0)>
module attributes {stable_mosaic.version = 14 : i64} {
  func.func @agg(%arg0: i32, %arg1: i32, %arg2: memref<10000x144xf32, #tpu.memory_space<hbm>>, %arg3: memref<32x80x125xi32, #tpu.memory_space<hbm>>, %arg4: memref<32x80x125xi32, #tpu.memory_space<hbm>>, %arg5: memref<125x144xf32, #tpu.memory_space<hbm>>, %arg6: memref<2x5120x144xf32, #tpu.memory_space<hbm>>, %arg7: memref<80x125xi32, #tpu.memory_space<vmem>>, %arg8: memref<80x125xi32, #tpu.memory_space<vmem>>, %arg9: memref<125x144xf32, #tpu.memory_space<vmem>>, %arg10: memref<125x144xf32, #tpu.memory_space<vmem>>, %arg11: memref<5120x144xf32, #tpu.memory_space<vmem_shared>>, %arg12: memref<!tpu.dma_semaphore, #tpu.memory_space<semaphore_mem>>, %arg13: memref<!tpu.dma_semaphore, #tpu.memory_space<semaphore_mem>>) attributes {dimension_semantics = [#tpu.dimension_semantics<core_parallel>, #tpu.dimension_semantics<subcore_parallel>], iteration_bounds = array<i64: 2, 16>, scalar_prefetch = 0 : i64, scratch_operands = 7 : i64, tpu.core_type = #tpu.core_type<sc_vector_subcore>, window_params = [{transform_indices = #map}, {transform_indices = #map1}, {transform_indices = #map1}, {transform_indices = #map}, {transform_indices = #map1}]} {
    %mul3A = arith.constant 2 : i32
    %mul3A_0 = arith.muli %arg1, %mul3A : i32
    %add3A = arith.addi %mul3A_0, %arg0 : i32
    "tpu.region"() ({
      %run_scoped3A = tpu.sem_alloc : memref<!tpu.dma_semaphore, #tpu.memory_space<semaphore_mem>>
      %dma_start3A_33 = arith.constant 0 : i32
      %dma_start3A_34 = arith.constant 0 : i32
      %dma_start3A_35 = tpu.memref_slice %arg3[%add3A, %dma_start3A_33, %dma_start3A_34] : memref<32x80x125xi32, #tpu.memory_space<hbm>> -> memref<1x80x125xi32, #tpu.memory_space<hbm>>
      %dma_start3A_36 = tpu.memref_squeeze %dma_start3A_35 : memref<1x80x125xi32, #tpu.memory_space<hbm>> -> memref<80x125xi32, #tpu.memory_space<hbm>>
      %dma_start3A_37 = arith.constant 0 : i32
      %dma_start3A_38 = arith.constant 0 : i32
      %dma_start3A_39 = tpu.memref_slice %arg3[%add3A, %dma_start3A_37, %dma_start3A_38] : memref<32x80x125xi32, #tpu.memory_space<hbm>> -> memref<1x80x125xi32, #tpu.memory_space<hbm>>
      %dma_start3A_40 = tpu.memref_squeeze %dma_start3A_39 : memref<1x80x125xi32, #tpu.memory_space<hbm>> -> memref<80x125xi32, #tpu.memory_space<hbm>>
      tpu.enqueue_dma source(%dma_start3A_40 : memref<80x125xi32, #tpu.memory_space<hbm>>) target(%arg7 : memref<80x125xi32, #tpu.memory_space<vmem>>) target_semaphore(%run_scoped3A : memref<!tpu.dma_semaphore, #tpu.memory_space<semaphore_mem>>)
      %dma_wait3A = arith.constant 0 : i32
      %dma_wait3A_41 = arith.constant 0 : i32
      %dma_wait3A_42 = tpu.memref_slice %arg3[%add3A, %dma_wait3A, %dma_wait3A_41] : memref<32x80x125xi32, #tpu.memory_space<hbm>> -> memref<1x80x125xi32, #tpu.memory_space<hbm>>
      %dma_wait3A_43 = tpu.memref_squeeze %dma_wait3A_42 : memref<1x80x125xi32, #tpu.memory_space<hbm>> -> memref<80x125xi32, #tpu.memory_space<hbm>>
      %dma_wait3A_44 = arith.constant 0 : i32
      %dma_wait3A_45 = arith.constant 0 : i32
      %dma_wait3A_46 = tpu.memref_slice %arg3[%add3A, %dma_wait3A_44, %dma_wait3A_45] : memref<32x80x125xi32, #tpu.memory_space<hbm>> -> memref<1x80x125xi32, #tpu.memory_space<hbm>>
      %dma_wait3A_47 = tpu.memref_squeeze %dma_wait3A_46 : memref<1x80x125xi32, #tpu.memory_space<hbm>> -> memref<80x125xi32, #tpu.memory_space<hbm>>
      tpu.wait_dma2 semaphore(%run_scoped3A : memref<!tpu.dma_semaphore, #tpu.memory_space<semaphore_mem>>) src(%dma_wait3A_47 : memref<80x125xi32, #tpu.memory_space<hbm>>) dst(%arg7 : memref<80x125xi32, #tpu.memory_space<vmem>>)
      tpu.yield
    }) : () -> ()
    "tpu.region"() ({
      %run_scoped3A = tpu.sem_alloc : memref<!tpu.dma_semaphore, #tpu.memory_space<semaphore_mem>>
      %dma_start3A_33 = arith.constant 0 : i32
      %dma_start3A_34 = arith.constant 0 : i32
      %dma_start3A_35 = tpu.memref_slice %arg4[%add3A, %dma_start3A_33, %dma_start3A_34] : memref<32x80x125xi32, #tpu.memory_space<hbm>> -> memref<1x80x125xi32, #tpu.memory_space<hbm>>
      %dma_start3A_36 = tpu.memref_squeeze %dma_start3A_35 : memref<1x80x125xi32, #tpu.memory_space<hbm>> -> memref<80x125xi32, #tpu.memory_space<hbm>>
      %dma_start3A_37 = arith.constant 0 : i32
      %dma_start3A_38 = arith.constant 0 : i32
      %dma_start3A_39 = tpu.memref_slice %arg4[%add3A, %dma_start3A_37, %dma_start3A_38] : memref<32x80x125xi32, #tpu.memory_space<hbm>> -> memref<1x80x125xi32, #tpu.memory_space<hbm>>
      %dma_start3A_40 = tpu.memref_squeeze %dma_start3A_39 : memref<1x80x125xi32, #tpu.memory_space<hbm>> -> memref<80x125xi32, #tpu.memory_space<hbm>>
      tpu.enqueue_dma source(%dma_start3A_40 : memref<80x125xi32, #tpu.memory_space<hbm>>) target(%arg8 : memref<80x125xi32, #tpu.memory_space<vmem>>) target_semaphore(%run_scoped3A : memref<!tpu.dma_semaphore, #tpu.memory_space<semaphore_mem>>)
      %dma_wait3A = arith.constant 0 : i32
      %dma_wait3A_41 = arith.constant 0 : i32
      %dma_wait3A_42 = tpu.memref_slice %arg4[%add3A, %dma_wait3A, %dma_wait3A_41] : memref<32x80x125xi32, #tpu.memory_space<hbm>> -> memref<1x80x125xi32, #tpu.memory_space<hbm>>
      %dma_wait3A_43 = tpu.memref_squeeze %dma_wait3A_42 : memref<1x80x125xi32, #tpu.memory_space<hbm>> -> memref<80x125xi32, #tpu.memory_space<hbm>>
      %dma_wait3A_44 = arith.constant 0 : i32
      %dma_wait3A_45 = arith.constant 0 : i32
      %dma_wait3A_46 = tpu.memref_slice %arg4[%add3A, %dma_wait3A_44, %dma_wait3A_45] : memref<32x80x125xi32, #tpu.memory_space<hbm>> -> memref<1x80x125xi32, #tpu.memory_space<hbm>>
      %dma_wait3A_47 = tpu.memref_squeeze %dma_wait3A_46 : memref<1x80x125xi32, #tpu.memory_space<hbm>> -> memref<80x125xi32, #tpu.memory_space<hbm>>
      tpu.wait_dma2 semaphore(%run_scoped3A : memref<!tpu.dma_semaphore, #tpu.memory_space<semaphore_mem>>) src(%dma_wait3A_47 : memref<80x125xi32, #tpu.memory_space<hbm>>) dst(%arg8 : memref<80x125xi32, #tpu.memory_space<vmem>>)
      tpu.yield
    }) : () -> ()
    "tpu.region"() ({
      %run_scoped3A = tpu.sem_alloc : memref<!tpu.dma_semaphore, #tpu.memory_space<semaphore_mem>>
      tpu.enqueue_dma source(%arg5 : memref<125x144xf32, #tpu.memory_space<hbm>>) target(%arg9 : memref<125x144xf32, #tpu.memory_space<vmem>>) target_semaphore(%run_scoped3A : memref<!tpu.dma_semaphore, #tpu.memory_space<semaphore_mem>>)
      tpu.wait_dma2 semaphore(%run_scoped3A : memref<!tpu.dma_semaphore, #tpu.memory_space<semaphore_mem>>) src(%arg5 : memref<125x144xf32, #tpu.memory_space<hbm>>) dst(%arg9 : memref<125x144xf32, #tpu.memory_space<vmem>>)
      tpu.yield
    }) : () -> ()
    %mul3A_1 = arith.constant 320 : i32
    %mul3A_2 = arith.muli %arg1, %mul3A_1 : i32
    %add3A_3 = arith.constant 0 : i32
    %add3A_4 = arith.addi %mul3A_2, %add3A_3 : i32
    "tpu.region"() ({
      %run_scoped3A = tpu.sem_alloc : memref<!tpu.dma_semaphore, #tpu.memory_space<semaphore_mem>>
      %dma_start3A_33 = arith.constant 0 : i32
      %dma_start3A_34 = arith.constant 0 : i32
      %dma_start3A_35 = tpu.memref_slice %arg9[%dma_start3A_33, %dma_start3A_34] : memref<125x144xf32, #tpu.memory_space<vmem>> -> memref<120x144xf32, #tpu.memory_space<vmem>>
      %dma_start3A_36 = arith.constant 0 : i32
      %dma_start3A_37 = tpu.memref_slice %arg11[%add3A_4, %dma_start3A_36] : memref<5120x144xf32, #tpu.memory_space<vmem_shared>> -> memref<120x144xf32, #tpu.memory_space<vmem_shared>>
      %dma_start3A_38 = arith.constant 0 : i32
      %dma_start3A_39 = tpu.memref_slice %arg11[%add3A_4, %dma_start3A_38] : memref<5120x144xf32, #tpu.memory_space<vmem_shared>> -> memref<120x144xf32, #tpu.memory_space<vmem_shared>>
      %dma_start3A_40 = arith.constant 0 : i32
      %dma_start3A_41 = arith.constant 0 : i32
      %dma_start3A_42 = tpu.memref_slice %arg9[%dma_start3A_40, %dma_start3A_41] : memref<125x144xf32, #tpu.memory_space<vmem>> -> memref<120x144xf32, #tpu.memory_space<vmem>>
      tpu.enqueue_dma source(%dma_start3A_42 : memref<120x144xf32, #tpu.memory_space<vmem>>) target(%dma_start3A_39 : memref<120x144xf32, #tpu.memory_space<vmem_shared>>) target_semaphore(%run_scoped3A : memref<!tpu.dma_semaphore, #tpu.memory_space<semaphore_mem>>)
      %dma_wait3A = arith.constant 0 : i32
      %dma_wait3A_43 = arith.constant 0 : i32
      %dma_wait3A_44 = tpu.memref_slice %arg9[%dma_wait3A, %dma_wait3A_43] : memref<125x144xf32, #tpu.memory_space<vmem>> -> memref<120x144xf32, #tpu.memory_space<vmem>>
      %dma_wait3A_45 = arith.constant 0 : i32
      %dma_wait3A_46 = tpu.memref_slice %arg11[%add3A_4, %dma_wait3A_45] : memref<5120x144xf32, #tpu.memory_space<vmem_shared>> -> memref<120x144xf32, #tpu.memory_space<vmem_shared>>
      %dma_wait3A_47 = arith.constant 0 : i32
      %dma_wait3A_48 = tpu.memref_slice %arg11[%add3A_4, %dma_wait3A_47] : memref<5120x144xf32, #tpu.memory_space<vmem_shared>> -> memref<120x144xf32, #tpu.memory_space<vmem_shared>>
      %dma_wait3A_49 = arith.constant 0 : i32
      %dma_wait3A_50 = arith.constant 0 : i32
      %dma_wait3A_51 = tpu.memref_slice %arg9[%dma_wait3A_49, %dma_wait3A_50] : memref<125x144xf32, #tpu.memory_space<vmem>> -> memref<120x144xf32, #tpu.memory_space<vmem>>
      tpu.wait_dma2 semaphore(%run_scoped3A : memref<!tpu.dma_semaphore, #tpu.memory_space<semaphore_mem>>) src(%dma_wait3A_51 : memref<120x144xf32, #tpu.memory_space<vmem>>) dst(%dma_wait3A_48 : memref<120x144xf32, #tpu.memory_space<vmem_shared>>)
      tpu.yield
    }) : () -> ()
    %add3A_5 = arith.constant 120 : i32
    %add3A_6 = arith.addi %mul3A_2, %add3A_5 : i32
    "tpu.region"() ({
      %run_scoped3A = tpu.sem_alloc : memref<!tpu.dma_semaphore, #tpu.memory_space<semaphore_mem>>
      %dma_start3A_33 = arith.constant 0 : i32
      %dma_start3A_34 = arith.constant 0 : i32
      %dma_start3A_35 = tpu.memref_slice %arg9[%dma_start3A_33, %dma_start3A_34] : memref<125x144xf32, #tpu.memory_space<vmem>> -> memref<120x144xf32, #tpu.memory_space<vmem>>
      %dma_start3A_36 = arith.constant 0 : i32
      %dma_start3A_37 = tpu.memref_slice %arg11[%add3A_6, %dma_start3A_36] : memref<5120x144xf32, #tpu.memory_space<vmem_shared>> -> memref<120x144xf32, #tpu.memory_space<vmem_shared>>
      %dma_start3A_38 = arith.constant 0 : i32
      %dma_start3A_39 = tpu.memref_slice %arg11[%add3A_6, %dma_start3A_38] : memref<5120x144xf32, #tpu.memory_space<vmem_shared>> -> memref<120x144xf32, #tpu.memory_space<vmem_shared>>
      %dma_start3A_40 = arith.constant 0 : i32
      %dma_start3A_41 = arith.constant 0 : i32
      %dma_start3A_42 = tpu.memref_slice %arg9[%dma_start3A_40, %dma_start3A_41] : memref<125x144xf32, #tpu.memory_space<vmem>> -> memref<120x144xf32, #tpu.memory_space<vmem>>
      tpu.enqueue_dma source(%dma_start3A_42 : memref<120x144xf32, #tpu.memory_space<vmem>>) target(%dma_start3A_39 : memref<120x144xf32, #tpu.memory_space<vmem_shared>>) target_semaphore(%run_scoped3A : memref<!tpu.dma_semaphore, #tpu.memory_space<semaphore_mem>>)
      %dma_wait3A = arith.constant 0 : i32
      %dma_wait3A_43 = arith.constant 0 : i32
      %dma_wait3A_44 = tpu.memref_slice %arg9[%dma_wait3A, %dma_wait3A_43] : memref<125x144xf32, #tpu.memory_space<vmem>> -> memref<120x144xf32, #tpu.memory_space<vmem>>
      %dma_wait3A_45 = arith.constant 0 : i32
      %dma_wait3A_46 = tpu.memref_slice %arg11[%add3A_6, %dma_wait3A_45] : memref<5120x144xf32, #tpu.memory_space<vmem_shared>> -> memref<120x144xf32, #tpu.memory_space<vmem_shared>>
      %dma_wait3A_47 = arith.constant 0 : i32
      %dma_wait3A_48 = tpu.memref_slice %arg11[%add3A_6, %dma_wait3A_47] : memref<5120x144xf32, #tpu.memory_space<vmem_shared>> -> memref<120x144xf32, #tpu.memory_space<vmem_shared>>
      %dma_wait3A_49 = arith.constant 0 : i32
      %dma_wait3A_50 = arith.constant 0 : i32
      %dma_wait3A_51 = tpu.memref_slice %arg9[%dma_wait3A_49, %dma_wait3A_50] : memref<125x144xf32, #tpu.memory_space<vmem>> -> memref<120x144xf32, #tpu.memory_space<vmem>>
      tpu.wait_dma2 semaphore(%run_scoped3A : memref<!tpu.dma_semaphore, #tpu.memory_space<semaphore_mem>>) src(%dma_wait3A_51 : memref<120x144xf32, #tpu.memory_space<vmem>>) dst(%dma_wait3A_48 : memref<120x144xf32, #tpu.memory_space<vmem_shared>>)
      tpu.yield
    }) : () -> ()
    %add3A_7 = arith.constant 240 : i32
    %add3A_8 = arith.addi %mul3A_2, %add3A_7 : i32
    "tpu.region"() ({
      %run_scoped3A = tpu.sem_alloc : memref<!tpu.dma_semaphore, #tpu.memory_space<semaphore_mem>>
      %dma_start3A_33 = arith.constant 0 : i32
      %dma_start3A_34 = arith.constant 0 : i32
      %dma_start3A_35 = tpu.memref_slice %arg9[%dma_start3A_33, %dma_start3A_34] : memref<125x144xf32, #tpu.memory_space<vmem>> -> memref<80x144xf32, #tpu.memory_space<vmem>>
      %dma_start3A_36 = arith.constant 0 : i32
      %dma_start3A_37 = tpu.memref_slice %arg11[%add3A_8, %dma_start3A_36] : memref<5120x144xf32, #tpu.memory_space<vmem_shared>> -> memref<80x144xf32, #tpu.memory_space<vmem_shared>>
      %dma_start3A_38 = arith.constant 0 : i32
      %dma_start3A_39 = tpu.memref_slice %arg11[%add3A_8, %dma_start3A_38] : memref<5120x144xf32, #tpu.memory_space<vmem_shared>> -> memref<80x144xf32, #tpu.memory_space<vmem_shared>>
      %dma_start3A_40 = arith.constant 0 : i32
      %dma_start3A_41 = arith.constant 0 : i32
      %dma_start3A_42 = tpu.memref_slice %arg9[%dma_start3A_40, %dma_start3A_41] : memref<125x144xf32, #tpu.memory_space<vmem>> -> memref<80x144xf32, #tpu.memory_space<vmem>>
      tpu.enqueue_dma source(%dma_start3A_42 : memref<80x144xf32, #tpu.memory_space<vmem>>) target(%dma_start3A_39 : memref<80x144xf32, #tpu.memory_space<vmem_shared>>) target_semaphore(%run_scoped3A : memref<!tpu.dma_semaphore, #tpu.memory_space<semaphore_mem>>)
      %dma_wait3A = arith.constant 0 : i32
      %dma_wait3A_43 = arith.constant 0 : i32
      %dma_wait3A_44 = tpu.memref_slice %arg9[%dma_wait3A, %dma_wait3A_43] : memref<125x144xf32, #tpu.memory_space<vmem>> -> memref<80x144xf32, #tpu.memory_space<vmem>>
      %dma_wait3A_45 = arith.constant 0 : i32
      %dma_wait3A_46 = tpu.memref_slice %arg11[%add3A_8, %dma_wait3A_45] : memref<5120x144xf32, #tpu.memory_space<vmem_shared>> -> memref<80x144xf32, #tpu.memory_space<vmem_shared>>
      %dma_wait3A_47 = arith.constant 0 : i32
      %dma_wait3A_48 = tpu.memref_slice %arg11[%add3A_8, %dma_wait3A_47] : memref<5120x144xf32, #tpu.memory_space<vmem_shared>> -> memref<80x144xf32, #tpu.memory_space<vmem_shared>>
      %dma_wait3A_49 = arith.constant 0 : i32
      %dma_wait3A_50 = arith.constant 0 : i32
      %dma_wait3A_51 = tpu.memref_slice %arg9[%dma_wait3A_49, %dma_wait3A_50] : memref<125x144xf32, #tpu.memory_space<vmem>> -> memref<80x144xf32, #tpu.memory_space<vmem>>
      tpu.wait_dma2 semaphore(%run_scoped3A : memref<!tpu.dma_semaphore, #tpu.memory_space<semaphore_mem>>) src(%dma_wait3A_51 : memref<80x144xf32, #tpu.memory_space<vmem>>) dst(%dma_wait3A_48 : memref<80x144xf32, #tpu.memory_space<vmem_shared>>)
      tpu.yield
    }) : () -> ()
    %barrier3A = arith.constant 0 : index
    tpu.barrier barrier_id(%barrier3A)
    %dma_start3A = arith.constant 0 : i32
    %dma_start3A_9 = arith.constant 0 : i32
    %dma_start3A_10 = tpu.memref_slice %arg7[%dma_start3A, %dma_start3A_9] : memref<80x125xi32, #tpu.memory_space<vmem>> -> memref<1x125xi32, #tpu.memory_space<vmem>>
    %dma_start3A_11 = tpu.memref_squeeze %dma_start3A_10 : memref<1x125xi32, #tpu.memory_space<vmem>> -> memref<125xi32, #tpu.memory_space<vmem>>
    %dma_start3A_12 = arith.constant 0 : i32
    %dma_start3A_13 = arith.constant 0 : i32
    %dma_start3A_14 = tpu.memref_slice %arg2[%dma_start3A_12, %dma_start3A_13] : memref<10000x144xf32, #tpu.memory_space<hbm>> -> memref<10000x144xf32, #tpu.memory_space<hbm>>
    tpu.enqueue_indirect_dma source(%dma_start3A_14 : memref<10000x144xf32, #tpu.memory_space<hbm>>) target(%arg9 : memref<125x144xf32, #tpu.memory_space<vmem>>) offsets(%dma_start3A_11 : memref<125xi32, #tpu.memory_space<vmem>>) semaphore(%arg12 : memref<!tpu.dma_semaphore, #tpu.memory_space<semaphore_mem>>)
    %scan3A = arith.constant 0 : i32
    %scan3A_15 = arith.constant 0 : i32
    %scan3A_16 = arith.constant 40 : i32
    %scan3A_17 = arith.addi %scan3A_15, %scan3A_16 : i32
    %scan3A_18 = arith.constant 1 : i32
    scf.for %scan3A_33 = %scan3A_15 to %scan3A_17 step %scan3A_18  : i32 {
      %mul3A_34 = arith.constant 2 : i32
      %mul3A_35 = arith.muli %scan3A_33, %mul3A_34 : i32
      %add3A_36 = arith.constant 1 : i32
      %add3A_37 = arith.addi %mul3A_35, %add3A_36 : i32
      %dma_wait3A = arith.constant 0 : i32
      %dma_wait3A_38 = tpu.memref_slice %arg7[%mul3A_35, %dma_wait3A] : memref<80x125xi32, #tpu.memory_space<vmem>> -> memref<1x125xi32, #tpu.memory_space<vmem>>
      %dma_wait3A_39 = tpu.memref_squeeze %dma_wait3A_38 : memref<1x125xi32, #tpu.memory_space<vmem>> -> memref<125xi32, #tpu.memory_space<vmem>>
      %dma_wait3A_40 = arith.constant 0 : i32
      %dma_wait3A_41 = arith.constant 0 : i32
      %dma_wait3A_42 = tpu.memref_slice %arg2[%dma_wait3A_40, %dma_wait3A_41] : memref<10000x144xf32, #tpu.memory_space<hbm>> -> memref<10000x144xf32, #tpu.memory_space<hbm>>
      tpu.wait_indirect_dma semaphore(%arg12 : memref<!tpu.dma_semaphore, #tpu.memory_space<semaphore_mem>>) src(%dma_wait3A_42 : memref<10000x144xf32, #tpu.memory_space<hbm>>) dst(%arg9 : memref<125x144xf32, #tpu.memory_space<vmem>>)
      %dma_start3A_43 = arith.constant 0 : i32
      %dma_start3A_44 = tpu.memref_slice %arg7[%add3A_37, %dma_start3A_43] : memref<80x125xi32, #tpu.memory_space<vmem>> -> memref<1x125xi32, #tpu.memory_space<vmem>>
      %dma_start3A_45 = tpu.memref_squeeze %dma_start3A_44 : memref<1x125xi32, #tpu.memory_space<vmem>> -> memref<125xi32, #tpu.memory_space<vmem>>
      %dma_start3A_46 = arith.constant 0 : i32
      %dma_start3A_47 = arith.constant 0 : i32
      %dma_start3A_48 = tpu.memref_slice %arg2[%dma_start3A_46, %dma_start3A_47] : memref<10000x144xf32, #tpu.memory_space<hbm>> -> memref<10000x144xf32, #tpu.memory_space<hbm>>
      tpu.enqueue_indirect_dma source(%dma_start3A_48 : memref<10000x144xf32, #tpu.memory_space<hbm>>) target(%arg10 : memref<125x144xf32, #tpu.memory_space<vmem>>) offsets(%dma_start3A_45 : memref<125xi32, #tpu.memory_space<vmem>>) semaphore(%arg13 : memref<!tpu.dma_semaphore, #tpu.memory_space<semaphore_mem>>)
      "tpu.region"() ({
        %run_scoped3A = tpu.sem_alloc : memref<!tpu.dma_semaphore, #tpu.memory_space<semaphore_mem>>
        %dma_start3A_59 = arith.constant 0 : i32
        %dma_start3A_60 = tpu.memref_slice %arg8[%mul3A_35, %dma_start3A_59] : memref<80x125xi32, #tpu.memory_space<vmem>> -> memref<1x125xi32, #tpu.memory_space<vmem>>
        %dma_start3A_61 = tpu.memref_squeeze %dma_start3A_60 : memref<1x125xi32, #tpu.memory_space<vmem>> -> memref<125xi32, #tpu.memory_space<vmem>>
        %dma_start3A_62 = arith.constant 0 : i32
        %dma_start3A_63 = arith.constant 0 : i32
        %dma_start3A_64 = tpu.memref_slice %arg11[%dma_start3A_62, %dma_start3A_63] : memref<5120x144xf32, #tpu.memory_space<vmem_shared>> -> memref<5120x144xf32, #tpu.memory_space<vmem_shared>>
        tpu.enqueue_indirect_dma source(%arg9 : memref<125x144xf32, #tpu.memory_space<vmem>>) target(%dma_start3A_64 : memref<5120x144xf32, #tpu.memory_space<vmem_shared>>) offsets(%dma_start3A_61 : memref<125xi32, #tpu.memory_space<vmem>>) semaphore(%run_scoped3A : memref<!tpu.dma_semaphore, #tpu.memory_space<semaphore_mem>>) {add = true}
        %dma_wait3A_65 = arith.constant 0 : i32
        %dma_wait3A_66 = tpu.memref_slice %arg8[%mul3A_35, %dma_wait3A_65] : memref<80x125xi32, #tpu.memory_space<vmem>> -> memref<1x125xi32, #tpu.memory_space<vmem>>
        %dma_wait3A_67 = tpu.memref_squeeze %dma_wait3A_66 : memref<1x125xi32, #tpu.memory_space<vmem>> -> memref<125xi32, #tpu.memory_space<vmem>>
        %dma_wait3A_68 = arith.constant 0 : i32
        %dma_wait3A_69 = arith.constant 0 : i32
        %dma_wait3A_70 = tpu.memref_slice %arg11[%dma_wait3A_68, %dma_wait3A_69] : memref<5120x144xf32, #tpu.memory_space<vmem_shared>> -> memref<5120x144xf32, #tpu.memory_space<vmem_shared>>
        tpu.wait_indirect_dma semaphore(%run_scoped3A : memref<!tpu.dma_semaphore, #tpu.memory_space<semaphore_mem>>) src(%arg9 : memref<125x144xf32, #tpu.memory_space<vmem>>) dst(%dma_wait3A_70 : memref<5120x144xf32, #tpu.memory_space<vmem_shared>>)
        tpu.yield
      }) : () -> ()
      %dma_wait3A_49 = arith.constant 0 : i32
      %dma_wait3A_50 = tpu.memref_slice %arg7[%add3A_37, %dma_wait3A_49] : memref<80x125xi32, #tpu.memory_space<vmem>> -> memref<1x125xi32, #tpu.memory_space<vmem>>
      %dma_wait3A_51 = tpu.memref_squeeze %dma_wait3A_50 : memref<1x125xi32, #tpu.memory_space<vmem>> -> memref<125xi32, #tpu.memory_space<vmem>>
      %dma_wait3A_52 = arith.constant 0 : i32
      %dma_wait3A_53 = arith.constant 0 : i32
      %dma_wait3A_54 = tpu.memref_slice %arg2[%dma_wait3A_52, %dma_wait3A_53] : memref<10000x144xf32, #tpu.memory_space<hbm>> -> memref<10000x144xf32, #tpu.memory_space<hbm>>
      tpu.wait_indirect_dma semaphore(%arg13 : memref<!tpu.dma_semaphore, #tpu.memory_space<semaphore_mem>>) src(%dma_wait3A_54 : memref<10000x144xf32, #tpu.memory_space<hbm>>) dst(%arg10 : memref<125x144xf32, #tpu.memory_space<vmem>>)
      %add3A_55 = arith.constant 2 : i32
      %add3A_56 = arith.addi %mul3A_35, %add3A_55 : i32
      %lt3A = arith.constant 80 : i32
      %lt3A_57 = arith.cmpi slt, %add3A_56, %lt3A : i32
      %convert_element_type3A = arith.extui %lt3A_57 : i1 to i32
      %cond3A = arith.constant 0 : i32
      %cond3A_58 = arith.cmpi ne, %convert_element_type3A, %cond3A : i32
      scf.if %cond3A_58 {
        %add3A_59 = arith.constant 2 : i32
        %add3A_60 = arith.addi %mul3A_35, %add3A_59 : i32
        %dma_start3A_61 = arith.constant 0 : i32
        %dma_start3A_62 = tpu.memref_slice %arg7[%add3A_60, %dma_start3A_61] : memref<80x125xi32, #tpu.memory_space<vmem>> -> memref<1x125xi32, #tpu.memory_space<vmem>>
        %dma_start3A_63 = tpu.memref_squeeze %dma_start3A_62 : memref<1x125xi32, #tpu.memory_space<vmem>> -> memref<125xi32, #tpu.memory_space<vmem>>
        %dma_start3A_64 = arith.constant 0 : i32
        %dma_start3A_65 = arith.constant 0 : i32
        %dma_start3A_66 = tpu.memref_slice %arg2[%dma_start3A_64, %dma_start3A_65] : memref<10000x144xf32, #tpu.memory_space<hbm>> -> memref<10000x144xf32, #tpu.memory_space<hbm>>
        tpu.enqueue_indirect_dma source(%dma_start3A_66 : memref<10000x144xf32, #tpu.memory_space<hbm>>) target(%arg9 : memref<125x144xf32, #tpu.memory_space<vmem>>) offsets(%dma_start3A_63 : memref<125xi32, #tpu.memory_space<vmem>>) semaphore(%arg12 : memref<!tpu.dma_semaphore, #tpu.memory_space<semaphore_mem>>)
      } else {
      }
      "tpu.region"() ({
        %run_scoped3A = tpu.sem_alloc : memref<!tpu.dma_semaphore, #tpu.memory_space<semaphore_mem>>
        %dma_start3A_59 = arith.constant 0 : i32
        %dma_start3A_60 = tpu.memref_slice %arg8[%add3A_37, %dma_start3A_59] : memref<80x125xi32, #tpu.memory_space<vmem>> -> memref<1x125xi32, #tpu.memory_space<vmem>>
        %dma_start3A_61 = tpu.memref_squeeze %dma_start3A_60 : memref<1x125xi32, #tpu.memory_space<vmem>> -> memref<125xi32, #tpu.memory_space<vmem>>
        %dma_start3A_62 = arith.constant 0 : i32
        %dma_start3A_63 = arith.constant 0 : i32
        %dma_start3A_64 = tpu.memref_slice %arg11[%dma_start3A_62, %dma_start3A_63] : memref<5120x144xf32, #tpu.memory_space<vmem_shared>> -> memref<5120x144xf32, #tpu.memory_space<vmem_shared>>
        tpu.enqueue_indirect_dma source(%arg10 : memref<125x144xf32, #tpu.memory_space<vmem>>) target(%dma_start3A_64 : memref<5120x144xf32, #tpu.memory_space<vmem_shared>>) offsets(%dma_start3A_61 : memref<125xi32, #tpu.memory_space<vmem>>) semaphore(%run_scoped3A : memref<!tpu.dma_semaphore, #tpu.memory_space<semaphore_mem>>) {add = true}
        %dma_wait3A_65 = arith.constant 0 : i32
        %dma_wait3A_66 = tpu.memref_slice %arg8[%add3A_37, %dma_wait3A_65] : memref<80x125xi32, #tpu.memory_space<vmem>> -> memref<1x125xi32, #tpu.memory_space<vmem>>
        %dma_wait3A_67 = tpu.memref_squeeze %dma_wait3A_66 : memref<1x125xi32, #tpu.memory_space<vmem>> -> memref<125xi32, #tpu.memory_space<vmem>>
        %dma_wait3A_68 = arith.constant 0 : i32
        %dma_wait3A_69 = arith.constant 0 : i32
        %dma_wait3A_70 = tpu.memref_slice %arg11[%dma_wait3A_68, %dma_wait3A_69] : memref<5120x144xf32, #tpu.memory_space<vmem_shared>> -> memref<5120x144xf32, #tpu.memory_space<vmem_shared>>
        tpu.wait_indirect_dma semaphore(%run_scoped3A : memref<!tpu.dma_semaphore, #tpu.memory_space<semaphore_mem>>) src(%arg10 : memref<125x144xf32, #tpu.memory_space<vmem>>) dst(%dma_wait3A_70 : memref<5120x144xf32, #tpu.memory_space<vmem_shared>>)
        tpu.yield
      }) : () -> ()
    }
    %scan3A_19 = arith.constant 40 : i32
    %barrier3A_20 = arith.constant 0 : index
    tpu.barrier barrier_id(%barrier3A_20)
    %add3A_21 = arith.constant 0 : i32
    %add3A_22 = arith.addi %mul3A_2, %add3A_21 : i32
    "tpu.region"() ({
      %run_scoped3A = tpu.sem_alloc : memref<!tpu.dma_semaphore, #tpu.memory_space<semaphore_mem>>
      %dma_start3A_33 = arith.constant 0 : i32
      %dma_start3A_34 = arith.constant 0 : i32
      %dma_start3A_35 = tpu.memref_slice %arg9[%dma_start3A_33, %dma_start3A_34] : memref<125x144xf32, #tpu.memory_space<vmem>> -> memref<120x144xf32, #tpu.memory_space<vmem>>
      %dma_start3A_36 = arith.constant 0 : i32
      %dma_start3A_37 = tpu.memref_slice %arg11[%add3A_22, %dma_start3A_36] : memref<5120x144xf32, #tpu.memory_space<vmem_shared>> -> memref<120x144xf32, #tpu.memory_space<vmem_shared>>
      %dma_start3A_38 = arith.constant 0 : i32
      %dma_start3A_39 = arith.constant 0 : i32
      %dma_start3A_40 = tpu.memref_slice %arg9[%dma_start3A_38, %dma_start3A_39] : memref<125x144xf32, #tpu.memory_space<vmem>> -> memref<120x144xf32, #tpu.memory_space<vmem>>
      %dma_start3A_41 = arith.constant 0 : i32
      %dma_start3A_42 = tpu.memref_slice %arg11[%add3A_22, %dma_start3A_41] : memref<5120x144xf32, #tpu.memory_space<vmem_shared>> -> memref<120x144xf32, #tpu.memory_space<vmem_shared>>
      tpu.enqueue_dma source(%dma_start3A_42 : memref<120x144xf32, #tpu.memory_space<vmem_shared>>) target(%dma_start3A_40 : memref<120x144xf32, #tpu.memory_space<vmem>>) target_semaphore(%run_scoped3A : memref<!tpu.dma_semaphore, #tpu.memory_space<semaphore_mem>>)
      %dma_wait3A = arith.constant 0 : i32
      %dma_wait3A_43 = arith.constant 0 : i32
      %dma_wait3A_44 = tpu.memref_slice %arg9[%dma_wait3A, %dma_wait3A_43] : memref<125x144xf32, #tpu.memory_space<vmem>> -> memref<120x144xf32, #tpu.memory_space<vmem>>
      %dma_wait3A_45 = arith.constant 0 : i32
      %dma_wait3A_46 = tpu.memref_slice %arg11[%add3A_22, %dma_wait3A_45] : memref<5120x144xf32, #tpu.memory_space<vmem_shared>> -> memref<120x144xf32, #tpu.memory_space<vmem_shared>>
      %dma_wait3A_47 = arith.constant 0 : i32
      %dma_wait3A_48 = arith.constant 0 : i32
      %dma_wait3A_49 = tpu.memref_slice %arg9[%dma_wait3A_47, %dma_wait3A_48] : memref<125x144xf32, #tpu.memory_space<vmem>> -> memref<120x144xf32, #tpu.memory_space<vmem>>
      %dma_wait3A_50 = arith.constant 0 : i32
      %dma_wait3A_51 = tpu.memref_slice %arg11[%add3A_22, %dma_wait3A_50] : memref<5120x144xf32, #tpu.memory_space<vmem_shared>> -> memref<120x144xf32, #tpu.memory_space<vmem_shared>>
      tpu.wait_dma2 semaphore(%run_scoped3A : memref<!tpu.dma_semaphore, #tpu.memory_space<semaphore_mem>>) src(%dma_wait3A_51 : memref<120x144xf32, #tpu.memory_space<vmem_shared>>) dst(%dma_wait3A_49 : memref<120x144xf32, #tpu.memory_space<vmem>>)
      tpu.yield
    }) : () -> ()
    %add3A_23 = arith.constant 0 : i32
    %add3A_24 = arith.addi %mul3A_2, %add3A_23 : i32
    "tpu.region"() ({
      %run_scoped3A = tpu.sem_alloc : memref<!tpu.dma_semaphore, #tpu.memory_space<semaphore_mem>>
      %dma_start3A_33 = arith.constant 0 : i32
      %dma_start3A_34 = arith.constant 0 : i32
      %dma_start3A_35 = tpu.memref_slice %arg9[%dma_start3A_33, %dma_start3A_34] : memref<125x144xf32, #tpu.memory_space<vmem>> -> memref<120x144xf32, #tpu.memory_space<vmem>>
      %dma_start3A_36 = arith.constant 0 : i32
      %dma_start3A_37 = tpu.memref_slice %arg6[%arg0, %add3A_24, %dma_start3A_36] : memref<2x5120x144xf32, #tpu.memory_space<hbm>> -> memref<1x120x144xf32, #tpu.memory_space<hbm>>
      %dma_start3A_38 = tpu.memref_squeeze %dma_start3A_37 : memref<1x120x144xf32, #tpu.memory_space<hbm>> -> memref<120x144xf32, #tpu.memory_space<hbm>>
      %dma_start3A_39 = arith.constant 0 : i32
      %dma_start3A_40 = tpu.memref_slice %arg6[%arg0, %add3A_24, %dma_start3A_39] : memref<2x5120x144xf32, #tpu.memory_space<hbm>> -> memref<1x120x144xf32, #tpu.memory_space<hbm>>
      %dma_start3A_41 = tpu.memref_squeeze %dma_start3A_40 : memref<1x120x144xf32, #tpu.memory_space<hbm>> -> memref<120x144xf32, #tpu.memory_space<hbm>>
      %dma_start3A_42 = arith.constant 0 : i32
      %dma_start3A_43 = arith.constant 0 : i32
      %dma_start3A_44 = tpu.memref_slice %arg9[%dma_start3A_42, %dma_start3A_43] : memref<125x144xf32, #tpu.memory_space<vmem>> -> memref<120x144xf32, #tpu.memory_space<vmem>>
      tpu.enqueue_dma source(%dma_start3A_44 : memref<120x144xf32, #tpu.memory_space<vmem>>) target(%dma_start3A_41 : memref<120x144xf32, #tpu.memory_space<hbm>>) target_semaphore(%run_scoped3A : memref<!tpu.dma_semaphore, #tpu.memory_space<semaphore_mem>>)
      %dma_wait3A = arith.constant 0 : i32
      %dma_wait3A_45 = arith.constant 0 : i32
      %dma_wait3A_46 = tpu.memref_slice %arg9[%dma_wait3A, %dma_wait3A_45] : memref<125x144xf32, #tpu.memory_space<vmem>> -> memref<120x144xf32, #tpu.memory_space<vmem>>
      %dma_wait3A_47 = arith.constant 0 : i32
      %dma_wait3A_48 = tpu.memref_slice %arg6[%arg0, %add3A_24, %dma_wait3A_47] : memref<2x5120x144xf32, #tpu.memory_space<hbm>> -> memref<1x120x144xf32, #tpu.memory_space<hbm>>
      %dma_wait3A_49 = tpu.memref_squeeze %dma_wait3A_48 : memref<1x120x144xf32, #tpu.memory_space<hbm>> -> memref<120x144xf32, #tpu.memory_space<hbm>>
      %dma_wait3A_50 = arith.constant 0 : i32
      %dma_wait3A_51 = tpu.memref_slice %arg6[%arg0, %add3A_24, %dma_wait3A_50] : memref<2x5120x144xf32, #tpu.memory_space<hbm>> -> memref<1x120x144xf32, #tpu.memory_space<hbm>>
      %dma_wait3A_52 = tpu.memref_squeeze %dma_wait3A_51 : memref<1x120x144xf32, #tpu.memory_space<hbm>> -> memref<120x144xf32, #tpu.memory_space<hbm>>
      %dma_wait3A_53 = arith.constant 0 : i32
      %dma_wait3A_54 = arith.constant 0 : i32
      %dma_wait3A_55 = tpu.memref_slice %arg9[%dma_wait3A_53, %dma_wait3A_54] : memref<125x144xf32, #tpu.memory_space<vmem>> -> memref<120x144xf32, #tpu.memory_space<vmem>>
      tpu.wait_dma2 semaphore(%run_scoped3A : memref<!tpu.dma_semaphore, #tpu.memory_space<semaphore_mem>>) src(%dma_wait3A_55 : memref<120x144xf32, #tpu.memory_space<vmem>>) dst(%dma_wait3A_52 : memref<120x144xf32, #tpu.memory_space<hbm>>)
      tpu.yield
    }) : () -> ()
    %add3A_25 = arith.constant 120 : i32
    %add3A_26 = arith.addi %mul3A_2, %add3A_25 : i32
    "tpu.region"() ({
      %run_scoped3A = tpu.sem_alloc : memref<!tpu.dma_semaphore, #tpu.memory_space<semaphore_mem>>
      %dma_start3A_33 = arith.constant 0 : i32
      %dma_start3A_34 = arith.constant 0 : i32
      %dma_start3A_35 = tpu.memref_slice %arg9[%dma_start3A_33, %dma_start3A_34] : memref<125x144xf32, #tpu.memory_space<vmem>> -> memref<120x144xf32, #tpu.memory_space<vmem>>
      %dma_start3A_36 = arith.constant 0 : i32
      %dma_start3A_37 = tpu.memref_slice %arg11[%add3A_26, %dma_start3A_36] : memref<5120x144xf32, #tpu.memory_space<vmem_shared>> -> memref<120x144xf32, #tpu.memory_space<vmem_shared>>
      %dma_start3A_38 = arith.constant 0 : i32
      %dma_start3A_39 = arith.constant 0 : i32
      %dma_start3A_40 = tpu.memref_slice %arg9[%dma_start3A_38, %dma_start3A_39] : memref<125x144xf32, #tpu.memory_space<vmem>> -> memref<120x144xf32, #tpu.memory_space<vmem>>
      %dma_start3A_41 = arith.constant 0 : i32
      %dma_start3A_42 = tpu.memref_slice %arg11[%add3A_26, %dma_start3A_41] : memref<5120x144xf32, #tpu.memory_space<vmem_shared>> -> memref<120x144xf32, #tpu.memory_space<vmem_shared>>
      tpu.enqueue_dma source(%dma_start3A_42 : memref<120x144xf32, #tpu.memory_space<vmem_shared>>) target(%dma_start3A_40 : memref<120x144xf32, #tpu.memory_space<vmem>>) target_semaphore(%run_scoped3A : memref<!tpu.dma_semaphore, #tpu.memory_space<semaphore_mem>>)
      %dma_wait3A = arith.constant 0 : i32
      %dma_wait3A_43 = arith.constant 0 : i32
      %dma_wait3A_44 = tpu.memref_slice %arg9[%dma_wait3A, %dma_wait3A_43] : memref<125x144xf32, #tpu.memory_space<vmem>> -> memref<120x144xf32, #tpu.memory_space<vmem>>
      %dma_wait3A_45 = arith.constant 0 : i32
      %dma_wait3A_46 = tpu.memref_slice %arg11[%add3A_26, %dma_wait3A_45] : memref<5120x144xf32, #tpu.memory_space<vmem_shared>> -> memref<120x144xf32, #tpu.memory_space<vmem_shared>>
      %dma_wait3A_47 = arith.constant 0 : i32
      %dma_wait3A_48 = arith.constant 0 : i32
      %dma_wait3A_49 = tpu.memref_slice %arg9[%dma_wait3A_47, %dma_wait3A_48] : memref<125x144xf32, #tpu.memory_space<vmem>> -> memref<120x144xf32, #tpu.memory_space<vmem>>
      %dma_wait3A_50 = arith.constant 0 : i32
      %dma_wait3A_51 = tpu.memref_slice %arg11[%add3A_26, %dma_wait3A_50] : memref<5120x144xf32, #tpu.memory_space<vmem_shared>> -> memref<120x144xf32, #tpu.memory_space<vmem_shared>>
      tpu.wait_dma2 semaphore(%run_scoped3A : memref<!tpu.dma_semaphore, #tpu.memory_space<semaphore_mem>>) src(%dma_wait3A_51 : memref<120x144xf32, #tpu.memory_space<vmem_shared>>) dst(%dma_wait3A_49 : memref<120x144xf32, #tpu.memory_space<vmem>>)
      tpu.yield
    }) : () -> ()
    %add3A_27 = arith.constant 120 : i32
    %add3A_28 = arith.addi %mul3A_2, %add3A_27 : i32
    "tpu.region"() ({
      %run_scoped3A = tpu.sem_alloc : memref<!tpu.dma_semaphore, #tpu.memory_space<semaphore_mem>>
      %dma_start3A_33 = arith.constant 0 : i32
      %dma_start3A_34 = arith.constant 0 : i32
      %dma_start3A_35 = tpu.memref_slice %arg9[%dma_start3A_33, %dma_start3A_34] : memref<125x144xf32, #tpu.memory_space<vmem>> -> memref<120x144xf32, #tpu.memory_space<vmem>>
      %dma_start3A_36 = arith.constant 0 : i32
      %dma_start3A_37 = tpu.memref_slice %arg6[%arg0, %add3A_28, %dma_start3A_36] : memref<2x5120x144xf32, #tpu.memory_space<hbm>> -> memref<1x120x144xf32, #tpu.memory_space<hbm>>
      %dma_start3A_38 = tpu.memref_squeeze %dma_start3A_37 : memref<1x120x144xf32, #tpu.memory_space<hbm>> -> memref<120x144xf32, #tpu.memory_space<hbm>>
      %dma_start3A_39 = arith.constant 0 : i32
      %dma_start3A_40 = tpu.memref_slice %arg6[%arg0, %add3A_28, %dma_start3A_39] : memref<2x5120x144xf32, #tpu.memory_space<hbm>> -> memref<1x120x144xf32, #tpu.memory_space<hbm>>
      %dma_start3A_41 = tpu.memref_squeeze %dma_start3A_40 : memref<1x120x144xf32, #tpu.memory_space<hbm>> -> memref<120x144xf32, #tpu.memory_space<hbm>>
      %dma_start3A_42 = arith.constant 0 : i32
      %dma_start3A_43 = arith.constant 0 : i32
      %dma_start3A_44 = tpu.memref_slice %arg9[%dma_start3A_42, %dma_start3A_43] : memref<125x144xf32, #tpu.memory_space<vmem>> -> memref<120x144xf32, #tpu.memory_space<vmem>>
      tpu.enqueue_dma source(%dma_start3A_44 : memref<120x144xf32, #tpu.memory_space<vmem>>) target(%dma_start3A_41 : memref<120x144xf32, #tpu.memory_space<hbm>>) target_semaphore(%run_scoped3A : memref<!tpu.dma_semaphore, #tpu.memory_space<semaphore_mem>>)
      %dma_wait3A = arith.constant 0 : i32
      %dma_wait3A_45 = arith.constant 0 : i32
      %dma_wait3A_46 = tpu.memref_slice %arg9[%dma_wait3A, %dma_wait3A_45] : memref<125x144xf32, #tpu.memory_space<vmem>> -> memref<120x144xf32, #tpu.memory_space<vmem>>
      %dma_wait3A_47 = arith.constant 0 : i32
      %dma_wait3A_48 = tpu.memref_slice %arg6[%arg0, %add3A_28, %dma_wait3A_47] : memref<2x5120x144xf32, #tpu.memory_space<hbm>> -> memref<1x120x144xf32, #tpu.memory_space<hbm>>
      %dma_wait3A_49 = tpu.memref_squeeze %dma_wait3A_48 : memref<1x120x144xf32, #tpu.memory_space<hbm>> -> memref<120x144xf32, #tpu.memory_space<hbm>>
      %dma_wait3A_50 = arith.constant 0 : i32
      %dma_wait3A_51 = tpu.memref_slice %arg6[%arg0, %add3A_28, %dma_wait3A_50] : memref<2x5120x144xf32, #tpu.memory_space<hbm>> -> memref<1x120x144xf32, #tpu.memory_space<hbm>>
      %dma_wait3A_52 = tpu.memref_squeeze %dma_wait3A_51 : memref<1x120x144xf32, #tpu.memory_space<hbm>> -> memref<120x144xf32, #tpu.memory_space<hbm>>
      %dma_wait3A_53 = arith.constant 0 : i32
      %dma_wait3A_54 = arith.constant 0 : i32
      %dma_wait3A_55 = tpu.memref_slice %arg9[%dma_wait3A_53, %dma_wait3A_54] : memref<125x144xf32, #tpu.memory_space<vmem>> -> memref<120x144xf32, #tpu.memory_space<vmem>>
      tpu.wait_dma2 semaphore(%run_scoped3A : memref<!tpu.dma_semaphore, #tpu.memory_space<semaphore_mem>>) src(%dma_wait3A_55 : memref<120x144xf32, #tpu.memory_space<vmem>>) dst(%dma_wait3A_52 : memref<120x144xf32, #tpu.memory_space<hbm>>)
      tpu.yield
    }) : () -> ()
    %add3A_29 = arith.constant 240 : i32
    %add3A_30 = arith.addi %mul3A_2, %add3A_29 : i32
    "tpu.region"() ({
      %run_scoped3A = tpu.sem_alloc : memref<!tpu.dma_semaphore, #tpu.memory_space<semaphore_mem>>
      %dma_start3A_33 = arith.constant 0 : i32
      %dma_start3A_34 = arith.constant 0 : i32
      %dma_start3A_35 = tpu.memref_slice %arg9[%dma_start3A_33, %dma_start3A_34] : memref<125x144xf32, #tpu.memory_space<vmem>> -> memref<80x144xf32, #tpu.memory_space<vmem>>
      %dma_start3A_36 = arith.constant 0 : i32
      %dma_start3A_37 = tpu.memref_slice %arg11[%add3A_30, %dma_start3A_36] : memref<5120x144xf32, #tpu.memory_space<vmem_shared>> -> memref<80x144xf32, #tpu.memory_space<vmem_shared>>
      %dma_start3A_38 = arith.constant 0 : i32
      %dma_start3A_39 = arith.constant 0 : i32
      %dma_start3A_40 = tpu.memref_slice %arg9[%dma_start3A_38, %dma_start3A_39] : memref<125x144xf32, #tpu.memory_space<vmem>> -> memref<80x144xf32, #tpu.memory_space<vmem>>
      %dma_start3A_41 = arith.constant 0 : i32
      %dma_start3A_42 = tpu.memref_slice %arg11[%add3A_30, %dma_start3A_41] : memref<5120x144xf32, #tpu.memory_space<vmem_shared>> -> memref<80x144xf32, #tpu.memory_space<vmem_shared>>
      tpu.enqueue_dma source(%dma_start3A_42 : memref<80x144xf32, #tpu.memory_space<vmem_shared>>) target(%dma_start3A_40 : memref<80x144xf32, #tpu.memory_space<vmem>>) target_semaphore(%run_scoped3A : memref<!tpu.dma_semaphore, #tpu.memory_space<semaphore_mem>>)
      %dma_wait3A = arith.constant 0 : i32
      %dma_wait3A_43 = arith.constant 0 : i32
      %dma_wait3A_44 = tpu.memref_slice %arg9[%dma_wait3A, %dma_wait3A_43] : memref<125x144xf32, #tpu.memory_space<vmem>> -> memref<80x144xf32, #tpu.memory_space<vmem>>
      %dma_wait3A_45 = arith.constant 0 : i32
      %dma_wait3A_46 = tpu.memref_slice %arg11[%add3A_30, %dma_wait3A_45] : memref<5120x144xf32, #tpu.memory_space<vmem_shared>> -> memref<80x144xf32, #tpu.memory_space<vmem_shared>>
      %dma_wait3A_47 = arith.constant 0 : i32
      %dma_wait3A_48 = arith.constant 0 : i32
      %dma_wait3A_49 = tpu.memref_slice %arg9[%dma_wait3A_47, %dma_wait3A_48] : memref<125x144xf32, #tpu.memory_space<vmem>> -> memref<80x144xf32, #tpu.memory_space<vmem>>
      %dma_wait3A_50 = arith.constant 0 : i32
      %dma_wait3A_51 = tpu.memref_slice %arg11[%add3A_30, %dma_wait3A_50] : memref<5120x144xf32, #tpu.memory_space<vmem_shared>> -> memref<80x144xf32, #tpu.memory_space<vmem_shared>>
      tpu.wait_dma2 semaphore(%run_scoped3A : memref<!tpu.dma_semaphore, #tpu.memory_space<semaphore_mem>>) src(%dma_wait3A_51 : memref<80x144xf32, #tpu.memory_space<vmem_shared>>) dst(%dma_wait3A_49 : memref<80x144xf32, #tpu.memory_space<vmem>>)
      tpu.yield
    }) : () -> ()
    %add3A_31 = arith.constant 240 : i32
    %add3A_32 = arith.addi %mul3A_2, %add3A_31 : i32
    "tpu.region"() ({
      %run_scoped3A = tpu.sem_alloc : memref<!tpu.dma_semaphore, #tpu.memory_space<semaphore_mem>>
      %dma_start3A_33 = arith.constant 0 : i32
      %dma_start3A_34 = arith.constant 0 : i32
      %dma_start3A_35 = tpu.memref_slice %arg9[%dma_start3A_33, %dma_start3A_34] : memref<125x144xf32, #tpu.memory_space<vmem>> -> memref<80x144xf32, #tpu.memory_space<vmem>>
      %dma_start3A_36 = arith.constant 0 : i32
      %dma_start3A_37 = tpu.memref_slice %arg6[%arg0, %add3A_32, %dma_start3A_36] : memref<2x5120x144xf32, #tpu.memory_space<hbm>> -> memref<1x80x144xf32, #tpu.memory_space<hbm>>
      %dma_start3A_38 = tpu.memref_squeeze %dma_start3A_37 : memref<1x80x144xf32, #tpu.memory_space<hbm>> -> memref<80x144xf32, #tpu.memory_space<hbm>>
      %dma_start3A_39 = arith.constant 0 : i32
      %dma_start3A_40 = tpu.memref_slice %arg6[%arg0, %add3A_32, %dma_start3A_39] : memref<2x5120x144xf32, #tpu.memory_space<hbm>> -> memref<1x80x144xf32, #tpu.memory_space<hbm>>
      %dma_start3A_41 = tpu.memref_squeeze %dma_start3A_40 : memref<1x80x144xf32, #tpu.memory_space<hbm>> -> memref<80x144xf32, #tpu.memory_space<hbm>>
      %dma_start3A_42 = arith.constant 0 : i32
      %dma_start3A_43 = arith.constant 0 : i32
      %dma_start3A_44 = tpu.memref_slice %arg9[%dma_start3A_42, %dma_start3A_43] : memref<125x144xf32, #tpu.memory_space<vmem>> -> memref<80x144xf32, #tpu.memory_space<vmem>>
      tpu.enqueue_dma source(%dma_start3A_44 : memref<80x144xf32, #tpu.memory_space<vmem>>) target(%dma_start3A_41 : memref<80x144xf32, #tpu.memory_space<hbm>>) target_semaphore(%run_scoped3A : memref<!tpu.dma_semaphore, #tpu.memory_space<semaphore_mem>>)
      %dma_wait3A = arith.constant 0 : i32
      %dma_wait3A_45 = arith.constant 0 : i32
      %dma_wait3A_46 = tpu.memref_slice %arg9[%dma_wait3A, %dma_wait3A_45] : memref<125x144xf32, #tpu.memory_space<vmem>> -> memref<80x144xf32, #tpu.memory_space<vmem>>
      %dma_wait3A_47 = arith.constant 0 : i32
      %dma_wait3A_48 = tpu.memref_slice %arg6[%arg0, %add3A_32, %dma_wait3A_47] : memref<2x5120x144xf32, #tpu.memory_space<hbm>> -> memref<1x80x144xf32, #tpu.memory_space<hbm>>
      %dma_wait3A_49 = tpu.memref_squeeze %dma_wait3A_48 : memref<1x80x144xf32, #tpu.memory_space<hbm>> -> memref<80x144xf32, #tpu.memory_space<hbm>>
      %dma_wait3A_50 = arith.constant 0 : i32
      %dma_wait3A_51 = tpu.memref_slice %arg6[%arg0, %add3A_32, %dma_wait3A_50] : memref<2x5120x144xf32, #tpu.memory_space<hbm>> -> memref<1x80x144xf32, #tpu.memory_space<hbm>>
      %dma_wait3A_52 = tpu.memref_squeeze %dma_wait3A_51 : memref<1x80x144xf32, #tpu.memory_space<hbm>> -> memref<80x144xf32, #tpu.memory_space<hbm>>
      %dma_wait3A_53 = arith.constant 0 : i32
      %dma_wait3A_54 = arith.constant 0 : i32
      %dma_wait3A_55 = tpu.memref_slice %arg9[%dma_wait3A_53, %dma_wait3A_54] : memref<125x144xf32, #tpu.memory_space<vmem>> -> memref<80x144xf32, #tpu.memory_space<vmem>>
      tpu.wait_dma2 semaphore(%run_scoped3A : memref<!tpu.dma_semaphore, #tpu.memory_space<semaphore_mem>>) src(%dma_wait3A_55 : memref<80x144xf32, #tpu.memory_space<vmem>>) dst(%dma_wait3A_52 : memref<80x144xf32, #tpu.memory_space<hbm>>)
      tpu.yield
    }) : () -> ()
    return
  }
}

#map = affine_map<(d0, d1) -> (0, 0)>
#map1 = affine_map<(d0, d1) -> (0, 0, 0)>
module attributes {stable_mosaic.version = 14 : i64} {
  func.func @agg(%arg0: i32, %arg1: i32, %arg2: memref<5120x144xf32, #tpu.memory_space<hbm>>, %arg3: memref<32x80x125xi32, #tpu.memory_space<hbm>>, %arg4: memref<32x80x125xi32, #tpu.memory_space<hbm>>, %arg5: memref<125x144xf32, #tpu.memory_space<hbm>>, %arg6: memref<2x10240x144xf32, #tpu.memory_space<hbm>>, %arg7: memref<125xi32, #tpu.memory_space<vmem>>, %arg8: memref<125xi32, #tpu.memory_space<vmem>>, %arg9: memref<125xi32, #tpu.memory_space<vmem>>, %arg10: memref<125xi32, #tpu.memory_space<vmem>>, %arg11: memref<125x144xf32, #tpu.memory_space<vmem>>, %arg12: memref<125x144xf32, #tpu.memory_space<vmem>>, %arg13: memref<10240x144xf32, #tpu.memory_space<vmem_shared>>, %arg14: memref<!tpu.dma_semaphore, #tpu.memory_space<semaphore_mem>>, %arg15: memref<!tpu.dma_semaphore, #tpu.memory_space<semaphore_mem>>, %arg16: memref<!tpu.dma_semaphore, #tpu.memory_space<semaphore_mem>>, %arg17: memref<!tpu.dma_semaphore, #tpu.memory_space<semaphore_mem>>) attributes {dimension_semantics = [#tpu.dimension_semantics<core_parallel>, #tpu.dimension_semantics<subcore_parallel>], iteration_bounds = array<i64: 2, 16>, scalar_prefetch = 0 : i64, scratch_operands = 11 : i64, tpu.core_type = #tpu.core_type<sc_vector_subcore>, window_params = [{transform_indices = #map}, {transform_indices = #map1}, {transform_indices = #map1}, {transform_indices = #map}, {transform_indices = #map1}]} {
    %mul3A = arith.constant 2 : i32
    %mul3A_0 = arith.muli %arg1, %mul3A : i32
    %add3A = arith.addi %mul3A_0, %arg0 : i32
    "tpu.region"() ({
      %run_scoped3A = tpu.sem_alloc : memref<!tpu.dma_semaphore, #tpu.memory_space<semaphore_mem>>
      tpu.enqueue_dma source(%arg5 : memref<125x144xf32, #tpu.memory_space<hbm>>) target(%arg11 : memref<125x144xf32, #tpu.memory_space<vmem>>) target_semaphore(%run_scoped3A : memref<!tpu.dma_semaphore, #tpu.memory_space<semaphore_mem>>)
      tpu.wait_dma2 semaphore(%run_scoped3A : memref<!tpu.dma_semaphore, #tpu.memory_space<semaphore_mem>>) src(%arg5 : memref<125x144xf32, #tpu.memory_space<hbm>>) dst(%arg11 : memref<125x144xf32, #tpu.memory_space<vmem>>)
      tpu.yield
    }) : () -> ()
    %mul3A_1 = arith.constant 640 : i32
    %mul3A_2 = arith.muli %arg1, %mul3A_1 : i32
    %add3A_3 = arith.constant 0 : i32
    %add3A_4 = arith.addi %mul3A_2, %add3A_3 : i32
    "tpu.region"() ({
      %run_scoped3A = tpu.sem_alloc : memref<!tpu.dma_semaphore, #tpu.memory_space<semaphore_mem>>
      %dma_start3A_88 = arith.constant 0 : i32
      %dma_start3A_89 = arith.constant 0 : i32
      %dma_start3A_90 = tpu.memref_slice %arg11[%dma_start3A_88, %dma_start3A_89] : memref<125x144xf32, #tpu.memory_space<vmem>> -> memref<120x144xf32, #tpu.memory_space<vmem>>
      %dma_start3A_91 = arith.constant 0 : i32
      %dma_start3A_92 = tpu.memref_slice %arg13[%add3A_4, %dma_start3A_91] : memref<10240x144xf32, #tpu.memory_space<vmem_shared>> -> memref<120x144xf32, #tpu.memory_space<vmem_shared>>
      %dma_start3A_93 = arith.constant 0 : i32
      %dma_start3A_94 = tpu.memref_slice %arg13[%add3A_4, %dma_start3A_93] : memref<10240x144xf32, #tpu.memory_space<vmem_shared>> -> memref<120x144xf32, #tpu.memory_space<vmem_shared>>
      %dma_start3A_95 = arith.constant 0 : i32
      %dma_start3A_96 = arith.constant 0 : i32
      %dma_start3A_97 = tpu.memref_slice %arg11[%dma_start3A_95, %dma_start3A_96] : memref<125x144xf32, #tpu.memory_space<vmem>> -> memref<120x144xf32, #tpu.memory_space<vmem>>
      tpu.enqueue_dma source(%dma_start3A_97 : memref<120x144xf32, #tpu.memory_space<vmem>>) target(%dma_start3A_94 : memref<120x144xf32, #tpu.memory_space<vmem_shared>>) target_semaphore(%run_scoped3A : memref<!tpu.dma_semaphore, #tpu.memory_space<semaphore_mem>>)
      %dma_wait3A_98 = arith.constant 0 : i32
      %dma_wait3A_99 = arith.constant 0 : i32
      %dma_wait3A_100 = tpu.memref_slice %arg11[%dma_wait3A_98, %dma_wait3A_99] : memref<125x144xf32, #tpu.memory_space<vmem>> -> memref<120x144xf32, #tpu.memory_space<vmem>>
      %dma_wait3A_101 = arith.constant 0 : i32
      %dma_wait3A_102 = tpu.memref_slice %arg13[%add3A_4, %dma_wait3A_101] : memref<10240x144xf32, #tpu.memory_space<vmem_shared>> -> memref<120x144xf32, #tpu.memory_space<vmem_shared>>
      %dma_wait3A_103 = arith.constant 0 : i32
      %dma_wait3A_104 = tpu.memref_slice %arg13[%add3A_4, %dma_wait3A_103] : memref<10240x144xf32, #tpu.memory_space<vmem_shared>> -> memref<120x144xf32, #tpu.memory_space<vmem_shared>>
      %dma_wait3A_105 = arith.constant 0 : i32
      %dma_wait3A_106 = arith.constant 0 : i32
      %dma_wait3A_107 = tpu.memref_slice %arg11[%dma_wait3A_105, %dma_wait3A_106] : memref<125x144xf32, #tpu.memory_space<vmem>> -> memref<120x144xf32, #tpu.memory_space<vmem>>
      tpu.wait_dma2 semaphore(%run_scoped3A : memref<!tpu.dma_semaphore, #tpu.memory_space<semaphore_mem>>) src(%dma_wait3A_107 : memref<120x144xf32, #tpu.memory_space<vmem>>) dst(%dma_wait3A_104 : memref<120x144xf32, #tpu.memory_space<vmem_shared>>)
      tpu.yield
    }) : () -> ()
    %add3A_5 = arith.constant 120 : i32
    %add3A_6 = arith.addi %mul3A_2, %add3A_5 : i32
    "tpu.region"() ({
      %run_scoped3A = tpu.sem_alloc : memref<!tpu.dma_semaphore, #tpu.memory_space<semaphore_mem>>
      %dma_start3A_88 = arith.constant 0 : i32
      %dma_start3A_89 = arith.constant 0 : i32
      %dma_start3A_90 = tpu.memref_slice %arg11[%dma_start3A_88, %dma_start3A_89] : memref<125x144xf32, #tpu.memory_space<vmem>> -> memref<120x144xf32, #tpu.memory_space<vmem>>
      %dma_start3A_91 = arith.constant 0 : i32
      %dma_start3A_92 = tpu.memref_slice %arg13[%add3A_6, %dma_start3A_91] : memref<10240x144xf32, #tpu.memory_space<vmem_shared>> -> memref<120x144xf32, #tpu.memory_space<vmem_shared>>
      %dma_start3A_93 = arith.constant 0 : i32
      %dma_start3A_94 = tpu.memref_slice %arg13[%add3A_6, %dma_start3A_93] : memref<10240x144xf32, #tpu.memory_space<vmem_shared>> -> memref<120x144xf32, #tpu.memory_space<vmem_shared>>
      %dma_start3A_95 = arith.constant 0 : i32
      %dma_start3A_96 = arith.constant 0 : i32
      %dma_start3A_97 = tpu.memref_slice %arg11[%dma_start3A_95, %dma_start3A_96] : memref<125x144xf32, #tpu.memory_space<vmem>> -> memref<120x144xf32, #tpu.memory_space<vmem>>
      tpu.enqueue_dma source(%dma_start3A_97 : memref<120x144xf32, #tpu.memory_space<vmem>>) target(%dma_start3A_94 : memref<120x144xf32, #tpu.memory_space<vmem_shared>>) target_semaphore(%run_scoped3A : memref<!tpu.dma_semaphore, #tpu.memory_space<semaphore_mem>>)
      %dma_wait3A_98 = arith.constant 0 : i32
      %dma_wait3A_99 = arith.constant 0 : i32
      %dma_wait3A_100 = tpu.memref_slice %arg11[%dma_wait3A_98, %dma_wait3A_99] : memref<125x144xf32, #tpu.memory_space<vmem>> -> memref<120x144xf32, #tpu.memory_space<vmem>>
      %dma_wait3A_101 = arith.constant 0 : i32
      %dma_wait3A_102 = tpu.memref_slice %arg13[%add3A_6, %dma_wait3A_101] : memref<10240x144xf32, #tpu.memory_space<vmem_shared>> -> memref<120x144xf32, #tpu.memory_space<vmem_shared>>
      %dma_wait3A_103 = arith.constant 0 : i32
      %dma_wait3A_104 = tpu.memref_slice %arg13[%add3A_6, %dma_wait3A_103] : memref<10240x144xf32, #tpu.memory_space<vmem_shared>> -> memref<120x144xf32, #tpu.memory_space<vmem_shared>>
      %dma_wait3A_105 = arith.constant 0 : i32
      %dma_wait3A_106 = arith.constant 0 : i32
      %dma_wait3A_107 = tpu.memref_slice %arg11[%dma_wait3A_105, %dma_wait3A_106] : memref<125x144xf32, #tpu.memory_space<vmem>> -> memref<120x144xf32, #tpu.memory_space<vmem>>
      tpu.wait_dma2 semaphore(%run_scoped3A : memref<!tpu.dma_semaphore, #tpu.memory_space<semaphore_mem>>) src(%dma_wait3A_107 : memref<120x144xf32, #tpu.memory_space<vmem>>) dst(%dma_wait3A_104 : memref<120x144xf32, #tpu.memory_space<vmem_shared>>)
      tpu.yield
    }) : () -> ()
    %add3A_7 = arith.constant 240 : i32
    %add3A_8 = arith.addi %mul3A_2, %add3A_7 : i32
    "tpu.region"() ({
      %run_scoped3A = tpu.sem_alloc : memref<!tpu.dma_semaphore, #tpu.memory_space<semaphore_mem>>
      %dma_start3A_88 = arith.constant 0 : i32
      %dma_start3A_89 = arith.constant 0 : i32
      %dma_start3A_90 = tpu.memref_slice %arg11[%dma_start3A_88, %dma_start3A_89] : memref<125x144xf32, #tpu.memory_space<vmem>> -> memref<120x144xf32, #tpu.memory_space<vmem>>
      %dma_start3A_91 = arith.constant 0 : i32
      %dma_start3A_92 = tpu.memref_slice %arg13[%add3A_8, %dma_start3A_91] : memref<10240x144xf32, #tpu.memory_space<vmem_shared>> -> memref<120x144xf32, #tpu.memory_space<vmem_shared>>
      %dma_start3A_93 = arith.constant 0 : i32
      %dma_start3A_94 = tpu.memref_slice %arg13[%add3A_8, %dma_start3A_93] : memref<10240x144xf32, #tpu.memory_space<vmem_shared>> -> memref<120x144xf32, #tpu.memory_space<vmem_shared>>
      %dma_start3A_95 = arith.constant 0 : i32
      %dma_start3A_96 = arith.constant 0 : i32
      %dma_start3A_97 = tpu.memref_slice %arg11[%dma_start3A_95, %dma_start3A_96] : memref<125x144xf32, #tpu.memory_space<vmem>> -> memref<120x144xf32, #tpu.memory_space<vmem>>
      tpu.enqueue_dma source(%dma_start3A_97 : memref<120x144xf32, #tpu.memory_space<vmem>>) target(%dma_start3A_94 : memref<120x144xf32, #tpu.memory_space<vmem_shared>>) target_semaphore(%run_scoped3A : memref<!tpu.dma_semaphore, #tpu.memory_space<semaphore_mem>>)
      %dma_wait3A_98 = arith.constant 0 : i32
      %dma_wait3A_99 = arith.constant 0 : i32
      %dma_wait3A_100 = tpu.memref_slice %arg11[%dma_wait3A_98, %dma_wait3A_99] : memref<125x144xf32, #tpu.memory_space<vmem>> -> memref<120x144xf32, #tpu.memory_space<vmem>>
      %dma_wait3A_101 = arith.constant 0 : i32
      %dma_wait3A_102 = tpu.memref_slice %arg13[%add3A_8, %dma_wait3A_101] : memref<10240x144xf32, #tpu.memory_space<vmem_shared>> -> memref<120x144xf32, #tpu.memory_space<vmem_shared>>
      %dma_wait3A_103 = arith.constant 0 : i32
      %dma_wait3A_104 = tpu.memref_slice %arg13[%add3A_8, %dma_wait3A_103] : memref<10240x144xf32, #tpu.memory_space<vmem_shared>> -> memref<120x144xf32, #tpu.memory_space<vmem_shared>>
      %dma_wait3A_105 = arith.constant 0 : i32
      %dma_wait3A_106 = arith.constant 0 : i32
      %dma_wait3A_107 = tpu.memref_slice %arg11[%dma_wait3A_105, %dma_wait3A_106] : memref<125x144xf32, #tpu.memory_space<vmem>> -> memref<120x144xf32, #tpu.memory_space<vmem>>
      tpu.wait_dma2 semaphore(%run_scoped3A : memref<!tpu.dma_semaphore, #tpu.memory_space<semaphore_mem>>) src(%dma_wait3A_107 : memref<120x144xf32, #tpu.memory_space<vmem>>) dst(%dma_wait3A_104 : memref<120x144xf32, #tpu.memory_space<vmem_shared>>)
      tpu.yield
    }) : () -> ()
    %add3A_9 = arith.constant 360 : i32
    %add3A_10 = arith.addi %mul3A_2, %add3A_9 : i32
    "tpu.region"() ({
      %run_scoped3A = tpu.sem_alloc : memref<!tpu.dma_semaphore, #tpu.memory_space<semaphore_mem>>
      %dma_start3A_88 = arith.constant 0 : i32
      %dma_start3A_89 = arith.constant 0 : i32
      %dma_start3A_90 = tpu.memref_slice %arg11[%dma_start3A_88, %dma_start3A_89] : memref<125x144xf32, #tpu.memory_space<vmem>> -> memref<120x144xf32, #tpu.memory_space<vmem>>
      %dma_start3A_91 = arith.constant 0 : i32
      %dma_start3A_92 = tpu.memref_slice %arg13[%add3A_10, %dma_start3A_91] : memref<10240x144xf32, #tpu.memory_space<vmem_shared>> -> memref<120x144xf32, #tpu.memory_space<vmem_shared>>
      %dma_start3A_93 = arith.constant 0 : i32
      %dma_start3A_94 = tpu.memref_slice %arg13[%add3A_10, %dma_start3A_93] : memref<10240x144xf32, #tpu.memory_space<vmem_shared>> -> memref<120x144xf32, #tpu.memory_space<vmem_shared>>
      %dma_start3A_95 = arith.constant 0 : i32
      %dma_start3A_96 = arith.constant 0 : i32
      %dma_start3A_97 = tpu.memref_slice %arg11[%dma_start3A_95, %dma_start3A_96] : memref<125x144xf32, #tpu.memory_space<vmem>> -> memref<120x144xf32, #tpu.memory_space<vmem>>
      tpu.enqueue_dma source(%dma_start3A_97 : memref<120x144xf32, #tpu.memory_space<vmem>>) target(%dma_start3A_94 : memref<120x144xf32, #tpu.memory_space<vmem_shared>>) target_semaphore(%run_scoped3A : memref<!tpu.dma_semaphore, #tpu.memory_space<semaphore_mem>>)
      %dma_wait3A_98 = arith.constant 0 : i32
      %dma_wait3A_99 = arith.constant 0 : i32
      %dma_wait3A_100 = tpu.memref_slice %arg11[%dma_wait3A_98, %dma_wait3A_99] : memref<125x144xf32, #tpu.memory_space<vmem>> -> memref<120x144xf32, #tpu.memory_space<vmem>>
      %dma_wait3A_101 = arith.constant 0 : i32
      %dma_wait3A_102 = tpu.memref_slice %arg13[%add3A_10, %dma_wait3A_101] : memref<10240x144xf32, #tpu.memory_space<vmem_shared>> -> memref<120x144xf32, #tpu.memory_space<vmem_shared>>
      %dma_wait3A_103 = arith.constant 0 : i32
      %dma_wait3A_104 = tpu.memref_slice %arg13[%add3A_10, %dma_wait3A_103] : memref<10240x144xf32, #tpu.memory_space<vmem_shared>> -> memref<120x144xf32, #tpu.memory_space<vmem_shared>>
      %dma_wait3A_105 = arith.constant 0 : i32
      %dma_wait3A_106 = arith.constant 0 : i32
      %dma_wait3A_107 = tpu.memref_slice %arg11[%dma_wait3A_105, %dma_wait3A_106] : memref<125x144xf32, #tpu.memory_space<vmem>> -> memref<120x144xf32, #tpu.memory_space<vmem>>
      tpu.wait_dma2 semaphore(%run_scoped3A : memref<!tpu.dma_semaphore, #tpu.memory_space<semaphore_mem>>) src(%dma_wait3A_107 : memref<120x144xf32, #tpu.memory_space<vmem>>) dst(%dma_wait3A_104 : memref<120x144xf32, #tpu.memory_space<vmem_shared>>)
      tpu.yield
    }) : () -> ()
    %add3A_11 = arith.constant 480 : i32
    %add3A_12 = arith.addi %mul3A_2, %add3A_11 : i32
    "tpu.region"() ({
      %run_scoped3A = tpu.sem_alloc : memref<!tpu.dma_semaphore, #tpu.memory_space<semaphore_mem>>
      %dma_start3A_88 = arith.constant 0 : i32
      %dma_start3A_89 = arith.constant 0 : i32
      %dma_start3A_90 = tpu.memref_slice %arg11[%dma_start3A_88, %dma_start3A_89] : memref<125x144xf32, #tpu.memory_space<vmem>> -> memref<120x144xf32, #tpu.memory_space<vmem>>
      %dma_start3A_91 = arith.constant 0 : i32
      %dma_start3A_92 = tpu.memref_slice %arg13[%add3A_12, %dma_start3A_91] : memref<10240x144xf32, #tpu.memory_space<vmem_shared>> -> memref<120x144xf32, #tpu.memory_space<vmem_shared>>
      %dma_start3A_93 = arith.constant 0 : i32
      %dma_start3A_94 = tpu.memref_slice %arg13[%add3A_12, %dma_start3A_93] : memref<10240x144xf32, #tpu.memory_space<vmem_shared>> -> memref<120x144xf32, #tpu.memory_space<vmem_shared>>
      %dma_start3A_95 = arith.constant 0 : i32
      %dma_start3A_96 = arith.constant 0 : i32
      %dma_start3A_97 = tpu.memref_slice %arg11[%dma_start3A_95, %dma_start3A_96] : memref<125x144xf32, #tpu.memory_space<vmem>> -> memref<120x144xf32, #tpu.memory_space<vmem>>
      tpu.enqueue_dma source(%dma_start3A_97 : memref<120x144xf32, #tpu.memory_space<vmem>>) target(%dma_start3A_94 : memref<120x144xf32, #tpu.memory_space<vmem_shared>>) target_semaphore(%run_scoped3A : memref<!tpu.dma_semaphore, #tpu.memory_space<semaphore_mem>>)
      %dma_wait3A_98 = arith.constant 0 : i32
      %dma_wait3A_99 = arith.constant 0 : i32
      %dma_wait3A_100 = tpu.memref_slice %arg11[%dma_wait3A_98, %dma_wait3A_99] : memref<125x144xf32, #tpu.memory_space<vmem>> -> memref<120x144xf32, #tpu.memory_space<vmem>>
      %dma_wait3A_101 = arith.constant 0 : i32
      %dma_wait3A_102 = tpu.memref_slice %arg13[%add3A_12, %dma_wait3A_101] : memref<10240x144xf32, #tpu.memory_space<vmem_shared>> -> memref<120x144xf32, #tpu.memory_space<vmem_shared>>
      %dma_wait3A_103 = arith.constant 0 : i32
      %dma_wait3A_104 = tpu.memref_slice %arg13[%add3A_12, %dma_wait3A_103] : memref<10240x144xf32, #tpu.memory_space<vmem_shared>> -> memref<120x144xf32, #tpu.memory_space<vmem_shared>>
      %dma_wait3A_105 = arith.constant 0 : i32
      %dma_wait3A_106 = arith.constant 0 : i32
      %dma_wait3A_107 = tpu.memref_slice %arg11[%dma_wait3A_105, %dma_wait3A_106] : memref<125x144xf32, #tpu.memory_space<vmem>> -> memref<120x144xf32, #tpu.memory_space<vmem>>
      tpu.wait_dma2 semaphore(%run_scoped3A : memref<!tpu.dma_semaphore, #tpu.memory_space<semaphore_mem>>) src(%dma_wait3A_107 : memref<120x144xf32, #tpu.memory_space<vmem>>) dst(%dma_wait3A_104 : memref<120x144xf32, #tpu.memory_space<vmem_shared>>)
      tpu.yield
    }) : () -> ()
    %add3A_13 = arith.constant 600 : i32
    %add3A_14 = arith.addi %mul3A_2, %add3A_13 : i32
    "tpu.region"() ({
      %run_scoped3A = tpu.sem_alloc : memref<!tpu.dma_semaphore, #tpu.memory_space<semaphore_mem>>
      %dma_start3A_88 = arith.constant 0 : i32
      %dma_start3A_89 = arith.constant 0 : i32
      %dma_start3A_90 = tpu.memref_slice %arg11[%dma_start3A_88, %dma_start3A_89] : memref<125x144xf32, #tpu.memory_space<vmem>> -> memref<40x144xf32, #tpu.memory_space<vmem>>
      %dma_start3A_91 = arith.constant 0 : i32
      %dma_start3A_92 = tpu.memref_slice %arg13[%add3A_14, %dma_start3A_91] : memref<10240x144xf32, #tpu.memory_space<vmem_shared>> -> memref<40x144xf32, #tpu.memory_space<vmem_shared>>
      %dma_start3A_93 = arith.constant 0 : i32
      %dma_start3A_94 = tpu.memref_slice %arg13[%add3A_14, %dma_start3A_93] : memref<10240x144xf32, #tpu.memory_space<vmem_shared>> -> memref<40x144xf32, #tpu.memory_space<vmem_shared>>
      %dma_start3A_95 = arith.constant 0 : i32
      %dma_start3A_96 = arith.constant 0 : i32
      %dma_start3A_97 = tpu.memref_slice %arg11[%dma_start3A_95, %dma_start3A_96] : memref<125x144xf32, #tpu.memory_space<vmem>> -> memref<40x144xf32, #tpu.memory_space<vmem>>
      tpu.enqueue_dma source(%dma_start3A_97 : memref<40x144xf32, #tpu.memory_space<vmem>>) target(%dma_start3A_94 : memref<40x144xf32, #tpu.memory_space<vmem_shared>>) target_semaphore(%run_scoped3A : memref<!tpu.dma_semaphore, #tpu.memory_space<semaphore_mem>>)
      %dma_wait3A_98 = arith.constant 0 : i32
      %dma_wait3A_99 = arith.constant 0 : i32
      %dma_wait3A_100 = tpu.memref_slice %arg11[%dma_wait3A_98, %dma_wait3A_99] : memref<125x144xf32, #tpu.memory_space<vmem>> -> memref<40x144xf32, #tpu.memory_space<vmem>>
      %dma_wait3A_101 = arith.constant 0 : i32
      %dma_wait3A_102 = tpu.memref_slice %arg13[%add3A_14, %dma_wait3A_101] : memref<10240x144xf32, #tpu.memory_space<vmem_shared>> -> memref<40x144xf32, #tpu.memory_space<vmem_shared>>
      %dma_wait3A_103 = arith.constant 0 : i32
      %dma_wait3A_104 = tpu.memref_slice %arg13[%add3A_14, %dma_wait3A_103] : memref<10240x144xf32, #tpu.memory_space<vmem_shared>> -> memref<40x144xf32, #tpu.memory_space<vmem_shared>>
      %dma_wait3A_105 = arith.constant 0 : i32
      %dma_wait3A_106 = arith.constant 0 : i32
      %dma_wait3A_107 = tpu.memref_slice %arg11[%dma_wait3A_105, %dma_wait3A_106] : memref<125x144xf32, #tpu.memory_space<vmem>> -> memref<40x144xf32, #tpu.memory_space<vmem>>
      tpu.wait_dma2 semaphore(%run_scoped3A : memref<!tpu.dma_semaphore, #tpu.memory_space<semaphore_mem>>) src(%dma_wait3A_107 : memref<40x144xf32, #tpu.memory_space<vmem>>) dst(%dma_wait3A_104 : memref<40x144xf32, #tpu.memory_space<vmem_shared>>)
      tpu.yield
    }) : () -> ()
    %barrier3A = arith.constant 0 : index
    tpu.barrier barrier_id(%barrier3A)
    %dma_start3A = arith.constant 0 : i32
    %dma_start3A_15 = arith.constant 0 : i32
    %dma_start3A_16 = tpu.memref_slice %arg3[%add3A, %dma_start3A, %dma_start3A_15] : memref<32x80x125xi32, #tpu.memory_space<hbm>> -> memref<1x1x125xi32, #tpu.memory_space<hbm>>
    %dma_start3A_17 = tpu.memref_squeeze %dma_start3A_16 : memref<1x1x125xi32, #tpu.memory_space<hbm>> -> memref<125xi32, #tpu.memory_space<hbm>>
    %dma_start3A_18 = arith.constant 0 : i32
    %dma_start3A_19 = tpu.memref_slice %arg3[%add3A, %dma_start3A, %dma_start3A_18] : memref<32x80x125xi32, #tpu.memory_space<hbm>> -> memref<1x1x125xi32, #tpu.memory_space<hbm>>
    %dma_start3A_20 = tpu.memref_squeeze %dma_start3A_19 : memref<1x1x125xi32, #tpu.memory_space<hbm>> -> memref<125xi32, #tpu.memory_space<hbm>>
    tpu.enqueue_dma source(%dma_start3A_20 : memref<125xi32, #tpu.memory_space<hbm>>) target(%arg7 : memref<125xi32, #tpu.memory_space<vmem>>) target_semaphore(%arg14 : memref<!tpu.dma_semaphore, #tpu.memory_space<semaphore_mem>>)
    %dma_start3A_21 = arith.constant 0 : i32
    %dma_start3A_22 = arith.constant 0 : i32
    %dma_start3A_23 = tpu.memref_slice %arg4[%add3A, %dma_start3A_21, %dma_start3A_22] : memref<32x80x125xi32, #tpu.memory_space<hbm>> -> memref<1x1x125xi32, #tpu.memory_space<hbm>>
    %dma_start3A_24 = tpu.memref_squeeze %dma_start3A_23 : memref<1x1x125xi32, #tpu.memory_space<hbm>> -> memref<125xi32, #tpu.memory_space<hbm>>
    %dma_start3A_25 = arith.constant 0 : i32
    %dma_start3A_26 = tpu.memref_slice %arg4[%add3A, %dma_start3A_21, %dma_start3A_25] : memref<32x80x125xi32, #tpu.memory_space<hbm>> -> memref<1x1x125xi32, #tpu.memory_space<hbm>>
    %dma_start3A_27 = tpu.memref_squeeze %dma_start3A_26 : memref<1x1x125xi32, #tpu.memory_space<hbm>> -> memref<125xi32, #tpu.memory_space<hbm>>
    tpu.enqueue_dma source(%dma_start3A_27 : memref<125xi32, #tpu.memory_space<hbm>>) target(%arg9 : memref<125xi32, #tpu.memory_space<vmem>>) target_semaphore(%arg14 : memref<!tpu.dma_semaphore, #tpu.memory_space<semaphore_mem>>)
    %dma_wait3A = arith.constant 0 : i32
    %dma_wait3A_28 = arith.constant 0 : i32
    %dma_wait3A_29 = tpu.memref_slice %arg3[%add3A, %dma_wait3A, %dma_wait3A_28] : memref<32x80x125xi32, #tpu.memory_space<hbm>> -> memref<1x1x125xi32, #tpu.memory_space<hbm>>
    %dma_wait3A_30 = tpu.memref_squeeze %dma_wait3A_29 : memref<1x1x125xi32, #tpu.memory_space<hbm>> -> memref<125xi32, #tpu.memory_space<hbm>>
    %dma_wait3A_31 = arith.constant 0 : i32
    %dma_wait3A_32 = tpu.memref_slice %arg3[%add3A, %dma_wait3A, %dma_wait3A_31] : memref<32x80x125xi32, #tpu.memory_space<hbm>> -> memref<1x1x125xi32, #tpu.memory_space<hbm>>
    %dma_wait3A_33 = tpu.memref_squeeze %dma_wait3A_32 : memref<1x1x125xi32, #tpu.memory_space<hbm>> -> memref<125xi32, #tpu.memory_space<hbm>>
    tpu.wait_dma2 semaphore(%arg14 : memref<!tpu.dma_semaphore, #tpu.memory_space<semaphore_mem>>) src(%dma_wait3A_33 : memref<125xi32, #tpu.memory_space<hbm>>) dst(%arg7 : memref<125xi32, #tpu.memory_space<vmem>>)
    %dma_wait3A_34 = arith.constant 0 : i32
    %dma_wait3A_35 = arith.constant 0 : i32
    %dma_wait3A_36 = tpu.memref_slice %arg4[%add3A, %dma_wait3A_34, %dma_wait3A_35] : memref<32x80x125xi32, #tpu.memory_space<hbm>> -> memref<1x1x125xi32, #tpu.memory_space<hbm>>
    %dma_wait3A_37 = tpu.memref_squeeze %dma_wait3A_36 : memref<1x1x125xi32, #tpu.memory_space<hbm>> -> memref<125xi32, #tpu.memory_space<hbm>>
    %dma_wait3A_38 = arith.constant 0 : i32
    %dma_wait3A_39 = tpu.memref_slice %arg4[%add3A, %dma_wait3A_34, %dma_wait3A_38] : memref<32x80x125xi32, #tpu.memory_space<hbm>> -> memref<1x1x125xi32, #tpu.memory_space<hbm>>
    %dma_wait3A_40 = tpu.memref_squeeze %dma_wait3A_39 : memref<1x1x125xi32, #tpu.memory_space<hbm>> -> memref<125xi32, #tpu.memory_space<hbm>>
    tpu.wait_dma2 semaphore(%arg14 : memref<!tpu.dma_semaphore, #tpu.memory_space<semaphore_mem>>) src(%dma_wait3A_40 : memref<125xi32, #tpu.memory_space<hbm>>) dst(%arg9 : memref<125xi32, #tpu.memory_space<vmem>>)
    %dma_start3A_41 = arith.constant 0 : i32
    %dma_start3A_42 = arith.constant 0 : i32
    %dma_start3A_43 = tpu.memref_slice %arg2[%dma_start3A_41, %dma_start3A_42] : memref<5120x144xf32, #tpu.memory_space<hbm>> -> memref<5120x144xf32, #tpu.memory_space<hbm>>
    tpu.enqueue_indirect_dma source(%dma_start3A_43 : memref<5120x144xf32, #tpu.memory_space<hbm>>) target(%arg11 : memref<125x144xf32, #tpu.memory_space<vmem>>) offsets(%arg7 : memref<125xi32, #tpu.memory_space<vmem>>) semaphore(%arg16 : memref<!tpu.dma_semaphore, #tpu.memory_space<semaphore_mem>>)
    %dma_start3A_44 = arith.constant 1 : i32
    %dma_start3A_45 = arith.constant 0 : i32
    %dma_start3A_46 = tpu.memref_slice %arg3[%add3A, %dma_start3A_44, %dma_start3A_45] : memref<32x80x125xi32, #tpu.memory_space<hbm>> -> memref<1x1x125xi32, #tpu.memory_space<hbm>>
    %dma_start3A_47 = tpu.memref_squeeze %dma_start3A_46 : memref<1x1x125xi32, #tpu.memory_space<hbm>> -> memref<125xi32, #tpu.memory_space<hbm>>
    %dma_start3A_48 = arith.constant 0 : i32
    %dma_start3A_49 = tpu.memref_slice %arg3[%add3A, %dma_start3A_44, %dma_start3A_48] : memref<32x80x125xi32, #tpu.memory_space<hbm>> -> memref<1x1x125xi32, #tpu.memory_space<hbm>>
    %dma_start3A_50 = tpu.memref_squeeze %dma_start3A_49 : memref<1x1x125xi32, #tpu.memory_space<hbm>> -> memref<125xi32, #tpu.memory_space<hbm>>
    tpu.enqueue_dma source(%dma_start3A_50 : memref<125xi32, #tpu.memory_space<hbm>>) target(%arg8 : memref<125xi32, #tpu.memory_space<vmem>>) target_semaphore(%arg15 : memref<!tpu.dma_semaphore, #tpu.memory_space<semaphore_mem>>)
    %dma_start3A_51 = arith.constant 1 : i32
    %dma_start3A_52 = arith.constant 0 : i32
    %dma_start3A_53 = tpu.memref_slice %arg4[%add3A, %dma_start3A_51, %dma_start3A_52] : memref<32x80x125xi32, #tpu.memory_space<hbm>> -> memref<1x1x125xi32, #tpu.memory_space<hbm>>
    %dma_start3A_54 = tpu.memref_squeeze %dma_start3A_53 : memref<1x1x125xi32, #tpu.memory_space<hbm>> -> memref<125xi32, #tpu.memory_space<hbm>>
    %dma_start3A_55 = arith.constant 0 : i32
    %dma_start3A_56 = tpu.memref_slice %arg4[%add3A, %dma_start3A_51, %dma_start3A_55] : memref<32x80x125xi32, #tpu.memory_space<hbm>> -> memref<1x1x125xi32, #tpu.memory_space<hbm>>
    %dma_start3A_57 = tpu.memref_squeeze %dma_start3A_56 : memref<1x1x125xi32, #tpu.memory_space<hbm>> -> memref<125xi32, #tpu.memory_space<hbm>>
    tpu.enqueue_dma source(%dma_start3A_57 : memref<125xi32, #tpu.memory_space<hbm>>) target(%arg10 : memref<125xi32, #tpu.memory_space<vmem>>) target_semaphore(%arg15 : memref<!tpu.dma_semaphore, #tpu.memory_space<semaphore_mem>>)
    %scan3A = arith.constant 0 : i32
    %scan3A_58 = arith.constant 0 : i32
    %scan3A_59 = arith.constant 40 : i32
    %scan3A_60 = arith.addi %scan3A_58, %scan3A_59 : i32
    %scan3A_61 = arith.constant 1 : i32
    scf.for %scan3A_88 = %scan3A_58 to %scan3A_60 step %scan3A_61  : i32 {
      %mul3A_89 = arith.constant 2 : i32
      %mul3A_90 = arith.muli %scan3A_88, %mul3A_89 : i32
      %add3A_91 = arith.constant 1 : i32
      %add3A_92 = arith.addi %mul3A_90, %add3A_91 : i32
      %dma_wait3A_93 = arith.constant 0 : i32
      %dma_wait3A_94 = arith.constant 0 : i32
      %dma_wait3A_95 = tpu.memref_slice %arg2[%dma_wait3A_93, %dma_wait3A_94] : memref<5120x144xf32, #tpu.memory_space<hbm>> -> memref<5120x144xf32, #tpu.memory_space<hbm>>
      tpu.wait_indirect_dma semaphore(%arg16 : memref<!tpu.dma_semaphore, #tpu.memory_space<semaphore_mem>>) src(%dma_wait3A_95 : memref<5120x144xf32, #tpu.memory_space<hbm>>) dst(%arg11 : memref<125x144xf32, #tpu.memory_space<vmem>>)
      %dma_wait3A_96 = arith.constant 0 : i32
      %dma_wait3A_97 = tpu.memref_slice %arg3[%add3A, %add3A_92, %dma_wait3A_96] : memref<32x80x125xi32, #tpu.memory_space<hbm>> -> memref<1x1x125xi32, #tpu.memory_space<hbm>>
      %dma_wait3A_98 = tpu.memref_squeeze %dma_wait3A_97 : memref<1x1x125xi32, #tpu.memory_space<hbm>> -> memref<125xi32, #tpu.memory_space<hbm>>
      %dma_wait3A_99 = arith.constant 0 : i32
      %dma_wait3A_100 = tpu.memref_slice %arg3[%add3A, %add3A_92, %dma_wait3A_99] : memref<32x80x125xi32, #tpu.memory_space<hbm>> -> memref<1x1x125xi32, #tpu.memory_space<hbm>>
      %dma_wait3A_101 = tpu.memref_squeeze %dma_wait3A_100 : memref<1x1x125xi32, #tpu.memory_space<hbm>> -> memref<125xi32, #tpu.memory_space<hbm>>
      tpu.wait_dma2 semaphore(%arg15 : memref<!tpu.dma_semaphore, #tpu.memory_space<semaphore_mem>>) src(%dma_wait3A_101 : memref<125xi32, #tpu.memory_space<hbm>>) dst(%arg8 : memref<125xi32, #tpu.memory_space<vmem>>)
      %dma_wait3A_102 = arith.constant 0 : i32
      %dma_wait3A_103 = tpu.memref_slice %arg4[%add3A, %add3A_92, %dma_wait3A_102] : memref<32x80x125xi32, #tpu.memory_space<hbm>> -> memref<1x1x125xi32, #tpu.memory_space<hbm>>
      %dma_wait3A_104 = tpu.memref_squeeze %dma_wait3A_103 : memref<1x1x125xi32, #tpu.memory_space<hbm>> -> memref<125xi32, #tpu.memory_space<hbm>>
      %dma_wait3A_105 = arith.constant 0 : i32
      %dma_wait3A_106 = tpu.memref_slice %arg4[%add3A, %add3A_92, %dma_wait3A_105] : memref<32x80x125xi32, #tpu.memory_space<hbm>> -> memref<1x1x125xi32, #tpu.memory_space<hbm>>
      %dma_wait3A_107 = tpu.memref_squeeze %dma_wait3A_106 : memref<1x1x125xi32, #tpu.memory_space<hbm>> -> memref<125xi32, #tpu.memory_space<hbm>>
      tpu.wait_dma2 semaphore(%arg15 : memref<!tpu.dma_semaphore, #tpu.memory_space<semaphore_mem>>) src(%dma_wait3A_107 : memref<125xi32, #tpu.memory_space<hbm>>) dst(%arg10 : memref<125xi32, #tpu.memory_space<vmem>>)
      %dma_start3A_108 = arith.constant 0 : i32
      %dma_start3A_109 = arith.constant 0 : i32
      %dma_start3A_110 = tpu.memref_slice %arg2[%dma_start3A_108, %dma_start3A_109] : memref<5120x144xf32, #tpu.memory_space<hbm>> -> memref<5120x144xf32, #tpu.memory_space<hbm>>
      tpu.enqueue_indirect_dma source(%dma_start3A_110 : memref<5120x144xf32, #tpu.memory_space<hbm>>) target(%arg12 : memref<125x144xf32, #tpu.memory_space<vmem>>) offsets(%arg8 : memref<125xi32, #tpu.memory_space<vmem>>) semaphore(%arg17 : memref<!tpu.dma_semaphore, #tpu.memory_space<semaphore_mem>>)
      "tpu.region"() ({
        %run_scoped3A = tpu.sem_alloc : memref<!tpu.dma_semaphore, #tpu.memory_space<semaphore_mem>>
        %dma_start3A_132 = arith.constant 0 : i32
        %dma_start3A_133 = arith.constant 0 : i32
        %dma_start3A_134 = tpu.memref_slice %arg13[%dma_start3A_132, %dma_start3A_133] : memref<10240x144xf32, #tpu.memory_space<vmem_shared>> -> memref<10240x144xf32, #tpu.memory_space<vmem_shared>>
        tpu.enqueue_indirect_dma source(%arg11 : memref<125x144xf32, #tpu.memory_space<vmem>>) target(%dma_start3A_134 : memref<10240x144xf32, #tpu.memory_space<vmem_shared>>) offsets(%arg9 : memref<125xi32, #tpu.memory_space<vmem>>) semaphore(%run_scoped3A : memref<!tpu.dma_semaphore, #tpu.memory_space<semaphore_mem>>) {add = true}
        %dma_wait3A_135 = arith.constant 0 : i32
        %dma_wait3A_136 = arith.constant 0 : i32
        %dma_wait3A_137 = tpu.memref_slice %arg13[%dma_wait3A_135, %dma_wait3A_136] : memref<10240x144xf32, #tpu.memory_space<vmem_shared>> -> memref<10240x144xf32, #tpu.memory_space<vmem_shared>>
        tpu.wait_indirect_dma semaphore(%run_scoped3A : memref<!tpu.dma_semaphore, #tpu.memory_space<semaphore_mem>>) src(%arg11 : memref<125x144xf32, #tpu.memory_space<vmem>>) dst(%dma_wait3A_137 : memref<10240x144xf32, #tpu.memory_space<vmem_shared>>)
        tpu.yield
      }) : () -> ()
      %add3A_111 = arith.constant 2 : i32
      %add3A_112 = arith.addi %mul3A_90, %add3A_111 : i32
      %lt3A = arith.constant 80 : i32
      %lt3A_113 = arith.cmpi slt, %add3A_112, %lt3A : i32
      %convert_element_type3A = arith.extui %lt3A_113 : i1 to i32
      %cond3A = arith.constant 0 : i32
      %cond3A_114 = arith.cmpi ne, %convert_element_type3A, %cond3A : i32
      scf.if %cond3A_114 {
        %add3A_132 = arith.constant 2 : i32
        %add3A_133 = arith.addi %mul3A_90, %add3A_132 : i32
        %dma_start3A_134 = arith.constant 0 : i32
        %dma_start3A_135 = tpu.memref_slice %arg3[%add3A, %add3A_133, %dma_start3A_134] : memref<32x80x125xi32, #tpu.memory_space<hbm>> -> memref<1x1x125xi32, #tpu.memory_space<hbm>>
        %dma_start3A_136 = tpu.memref_squeeze %dma_start3A_135 : memref<1x1x125xi32, #tpu.memory_space<hbm>> -> memref<125xi32, #tpu.memory_space<hbm>>
        %dma_start3A_137 = arith.constant 0 : i32
        %dma_start3A_138 = tpu.memref_slice %arg3[%add3A, %add3A_133, %dma_start3A_137] : memref<32x80x125xi32, #tpu.memory_space<hbm>> -> memref<1x1x125xi32, #tpu.memory_space<hbm>>
        %dma_start3A_139 = tpu.memref_squeeze %dma_start3A_138 : memref<1x1x125xi32, #tpu.memory_space<hbm>> -> memref<125xi32, #tpu.memory_space<hbm>>
        tpu.enqueue_dma source(%dma_start3A_139 : memref<125xi32, #tpu.memory_space<hbm>>) target(%arg7 : memref<125xi32, #tpu.memory_space<vmem>>) target_semaphore(%arg14 : memref<!tpu.dma_semaphore, #tpu.memory_space<semaphore_mem>>)
        %dma_start3A_140 = arith.constant 0 : i32
        %dma_start3A_141 = tpu.memref_slice %arg4[%add3A, %add3A_133, %dma_start3A_140] : memref<32x80x125xi32, #tpu.memory_space<hbm>> -> memref<1x1x125xi32, #tpu.memory_space<hbm>>
        %dma_start3A_142 = tpu.memref_squeeze %dma_start3A_141 : memref<1x1x125xi32, #tpu.memory_space<hbm>> -> memref<125xi32, #tpu.memory_space<hbm>>
        %dma_start3A_143 = arith.constant 0 : i32
        %dma_start3A_144 = tpu.memref_slice %arg4[%add3A, %add3A_133, %dma_start3A_143] : memref<32x80x125xi32, #tpu.memory_space<hbm>> -> memref<1x1x125xi32, #tpu.memory_space<hbm>>
        %dma_start3A_145 = tpu.memref_squeeze %dma_start3A_144 : memref<1x1x125xi32, #tpu.memory_space<hbm>> -> memref<125xi32, #tpu.memory_space<hbm>>
        tpu.enqueue_dma source(%dma_start3A_145 : memref<125xi32, #tpu.memory_space<hbm>>) target(%arg9 : memref<125xi32, #tpu.memory_space<vmem>>) target_semaphore(%arg14 : memref<!tpu.dma_semaphore, #tpu.memory_space<semaphore_mem>>)
      } else {
      }
      %dma_wait3A_115 = arith.constant 0 : i32
      %dma_wait3A_116 = arith.constant 0 : i32
      %dma_wait3A_117 = tpu.memref_slice %arg2[%dma_wait3A_115, %dma_wait3A_116] : memref<5120x144xf32, #tpu.memory_space<hbm>> -> memref<5120x144xf32, #tpu.memory_space<hbm>>
      tpu.wait_indirect_dma semaphore(%arg17 : memref<!tpu.dma_semaphore, #tpu.memory_space<semaphore_mem>>) src(%dma_wait3A_117 : memref<5120x144xf32, #tpu.memory_space<hbm>>) dst(%arg12 : memref<125x144xf32, #tpu.memory_space<vmem>>)
      %add3A_118 = arith.constant 2 : i32
      %add3A_119 = arith.addi %mul3A_90, %add3A_118 : i32
      %lt3A_120 = arith.constant 80 : i32
      %lt3A_121 = arith.cmpi slt, %add3A_119, %lt3A_120 : i32
      %convert_element_type3A_122 = arith.extui %lt3A_121 : i1 to i32
      %cond3A_123 = arith.constant 0 : i32
      %cond3A_124 = arith.cmpi ne, %convert_element_type3A_122, %cond3A_123 : i32
      scf.if %cond3A_124 {
        %add3A_132 = arith.constant 2 : i32
        %add3A_133 = arith.addi %mul3A_90, %add3A_132 : i32
        %dma_wait3A_134 = arith.constant 0 : i32
        %dma_wait3A_135 = tpu.memref_slice %arg3[%add3A, %add3A_133, %dma_wait3A_134] : memref<32x80x125xi32, #tpu.memory_space<hbm>> -> memref<1x1x125xi32, #tpu.memory_space<hbm>>
        %dma_wait3A_136 = tpu.memref_squeeze %dma_wait3A_135 : memref<1x1x125xi32, #tpu.memory_space<hbm>> -> memref<125xi32, #tpu.memory_space<hbm>>
        %dma_wait3A_137 = arith.constant 0 : i32
        %dma_wait3A_138 = tpu.memref_slice %arg3[%add3A, %add3A_133, %dma_wait3A_137] : memref<32x80x125xi32, #tpu.memory_space<hbm>> -> memref<1x1x125xi32, #tpu.memory_space<hbm>>
        %dma_wait3A_139 = tpu.memref_squeeze %dma_wait3A_138 : memref<1x1x125xi32, #tpu.memory_space<hbm>> -> memref<125xi32, #tpu.memory_space<hbm>>
        tpu.wait_dma2 semaphore(%arg14 : memref<!tpu.dma_semaphore, #tpu.memory_space<semaphore_mem>>) src(%dma_wait3A_139 : memref<125xi32, #tpu.memory_space<hbm>>) dst(%arg7 : memref<125xi32, #tpu.memory_space<vmem>>)
        %dma_wait3A_140 = arith.constant 0 : i32
        %dma_wait3A_141 = tpu.memref_slice %arg4[%add3A, %add3A_133, %dma_wait3A_140] : memref<32x80x125xi32, #tpu.memory_space<hbm>> -> memref<1x1x125xi32, #tpu.memory_space<hbm>>
        %dma_wait3A_142 = tpu.memref_squeeze %dma_wait3A_141 : memref<1x1x125xi32, #tpu.memory_space<hbm>> -> memref<125xi32, #tpu.memory_space<hbm>>
        %dma_wait3A_143 = arith.constant 0 : i32
        %dma_wait3A_144 = tpu.memref_slice %arg4[%add3A, %add3A_133, %dma_wait3A_143] : memref<32x80x125xi32, #tpu.memory_space<hbm>> -> memref<1x1x125xi32, #tpu.memory_space<hbm>>
        %dma_wait3A_145 = tpu.memref_squeeze %dma_wait3A_144 : memref<1x1x125xi32, #tpu.memory_space<hbm>> -> memref<125xi32, #tpu.memory_space<hbm>>
        tpu.wait_dma2 semaphore(%arg14 : memref<!tpu.dma_semaphore, #tpu.memory_space<semaphore_mem>>) src(%dma_wait3A_145 : memref<125xi32, #tpu.memory_space<hbm>>) dst(%arg9 : memref<125xi32, #tpu.memory_space<vmem>>)
        %dma_start3A_146 = arith.constant 0 : i32
        %dma_start3A_147 = arith.constant 0 : i32
        %dma_start3A_148 = tpu.memref_slice %arg2[%dma_start3A_146, %dma_start3A_147] : memref<5120x144xf32, #tpu.memory_space<hbm>> -> memref<5120x144xf32, #tpu.memory_space<hbm>>
        tpu.enqueue_indirect_dma source(%dma_start3A_148 : memref<5120x144xf32, #tpu.memory_space<hbm>>) target(%arg11 : memref<125x144xf32, #tpu.memory_space<vmem>>) offsets(%arg7 : memref<125xi32, #tpu.memory_space<vmem>>) semaphore(%arg16 : memref<!tpu.dma_semaphore, #tpu.memory_space<semaphore_mem>>)
      } else {
      }
      "tpu.region"() ({
        %run_scoped3A = tpu.sem_alloc : memref<!tpu.dma_semaphore, #tpu.memory_space<semaphore_mem>>
        %dma_start3A_132 = arith.constant 0 : i32
        %dma_start3A_133 = arith.constant 0 : i32
        %dma_start3A_134 = tpu.memref_slice %arg13[%dma_start3A_132, %dma_start3A_133] : memref<10240x144xf32, #tpu.memory_space<vmem_shared>> -> memref<10240x144xf32, #tpu.memory_space<vmem_shared>>
        tpu.enqueue_indirect_dma source(%arg12 : memref<125x144xf32, #tpu.memory_space<vmem>>) target(%dma_start3A_134 : memref<10240x144xf32, #tpu.memory_space<vmem_shared>>) offsets(%arg10 : memref<125xi32, #tpu.memory_space<vmem>>) semaphore(%run_scoped3A : memref<!tpu.dma_semaphore, #tpu.memory_space<semaphore_mem>>) {add = true}
        %dma_wait3A_135 = arith.constant 0 : i32
        %dma_wait3A_136 = arith.constant 0 : i32
        %dma_wait3A_137 = tpu.memref_slice %arg13[%dma_wait3A_135, %dma_wait3A_136] : memref<10240x144xf32, #tpu.memory_space<vmem_shared>> -> memref<10240x144xf32, #tpu.memory_space<vmem_shared>>
        tpu.wait_indirect_dma semaphore(%run_scoped3A : memref<!tpu.dma_semaphore, #tpu.memory_space<semaphore_mem>>) src(%arg12 : memref<125x144xf32, #tpu.memory_space<vmem>>) dst(%dma_wait3A_137 : memref<10240x144xf32, #tpu.memory_space<vmem_shared>>)
        tpu.yield
      }) : () -> ()
      %add3A_125 = arith.constant 2 : i32
      %add3A_126 = arith.addi %add3A_92, %add3A_125 : i32
      %lt3A_127 = arith.constant 80 : i32
      %lt3A_128 = arith.cmpi slt, %add3A_126, %lt3A_127 : i32
      %convert_element_type3A_129 = arith.extui %lt3A_128 : i1 to i32
      %cond3A_130 = arith.constant 0 : i32
      %cond3A_131 = arith.cmpi ne, %convert_element_type3A_129, %cond3A_130 : i32
      scf.if %cond3A_131 {
        %add3A_132 = arith.constant 2 : i32
        %add3A_133 = arith.addi %add3A_92, %add3A_132 : i32
        %dma_start3A_134 = arith.constant 0 : i32
        %dma_start3A_135 = tpu.memref_slice %arg3[%add3A, %add3A_133, %dma_start3A_134] : memref<32x80x125xi32, #tpu.memory_space<hbm>> -> memref<1x1x125xi32, #tpu.memory_space<hbm>>
        %dma_start3A_136 = tpu.memref_squeeze %dma_start3A_135 : memref<1x1x125xi32, #tpu.memory_space<hbm>> -> memref<125xi32, #tpu.memory_space<hbm>>
        %dma_start3A_137 = arith.constant 0 : i32
        %dma_start3A_138 = tpu.memref_slice %arg3[%add3A, %add3A_133, %dma_start3A_137] : memref<32x80x125xi32, #tpu.memory_space<hbm>> -> memref<1x1x125xi32, #tpu.memory_space<hbm>>
        %dma_start3A_139 = tpu.memref_squeeze %dma_start3A_138 : memref<1x1x125xi32, #tpu.memory_space<hbm>> -> memref<125xi32, #tpu.memory_space<hbm>>
        tpu.enqueue_dma source(%dma_start3A_139 : memref<125xi32, #tpu.memory_space<hbm>>) target(%arg8 : memref<125xi32, #tpu.memory_space<vmem>>) target_semaphore(%arg15 : memref<!tpu.dma_semaphore, #tpu.memory_space<semaphore_mem>>)
        %dma_start3A_140 = arith.constant 0 : i32
        %dma_start3A_141 = tpu.memref_slice %arg4[%add3A, %add3A_133, %dma_start3A_140] : memref<32x80x125xi32, #tpu.memory_space<hbm>> -> memref<1x1x125xi32, #tpu.memory_space<hbm>>
        %dma_start3A_142 = tpu.memref_squeeze %dma_start3A_141 : memref<1x1x125xi32, #tpu.memory_space<hbm>> -> memref<125xi32, #tpu.memory_space<hbm>>
        %dma_start3A_143 = arith.constant 0 : i32
        %dma_start3A_144 = tpu.memref_slice %arg4[%add3A, %add3A_133, %dma_start3A_143] : memref<32x80x125xi32, #tpu.memory_space<hbm>> -> memref<1x1x125xi32, #tpu.memory_space<hbm>>
        %dma_start3A_145 = tpu.memref_squeeze %dma_start3A_144 : memref<1x1x125xi32, #tpu.memory_space<hbm>> -> memref<125xi32, #tpu.memory_space<hbm>>
        tpu.enqueue_dma source(%dma_start3A_145 : memref<125xi32, #tpu.memory_space<hbm>>) target(%arg10 : memref<125xi32, #tpu.memory_space<vmem>>) target_semaphore(%arg15 : memref<!tpu.dma_semaphore, #tpu.memory_space<semaphore_mem>>)
      } else {
      }
    }
    %scan3A_62 = arith.constant 40 : i32
    %barrier3A_63 = arith.constant 0 : index
    tpu.barrier barrier_id(%barrier3A_63)
    %add3A_64 = arith.constant 0 : i32
    %add3A_65 = arith.addi %mul3A_2, %add3A_64 : i32
    "tpu.region"() ({
      %run_scoped3A = tpu.sem_alloc : memref<!tpu.dma_semaphore, #tpu.memory_space<semaphore_mem>>
      %dma_start3A_88 = arith.constant 0 : i32
      %dma_start3A_89 = arith.constant 0 : i32
      %dma_start3A_90 = tpu.memref_slice %arg11[%dma_start3A_88, %dma_start3A_89] : memref<125x144xf32, #tpu.memory_space<vmem>> -> memref<120x144xf32, #tpu.memory_space<vmem>>
      %dma_start3A_91 = arith.constant 0 : i32
      %dma_start3A_92 = tpu.memref_slice %arg13[%add3A_65, %dma_start3A_91] : memref<10240x144xf32, #tpu.memory_space<vmem_shared>> -> memref<120x144xf32, #tpu.memory_space<vmem_shared>>
      %dma_start3A_93 = arith.constant 0 : i32
      %dma_start3A_94 = arith.constant 0 : i32
      %dma_start3A_95 = tpu.memref_slice %arg11[%dma_start3A_93, %dma_start3A_94] : memref<125x144xf32, #tpu.memory_space<vmem>> -> memref<120x144xf32, #tpu.memory_space<vmem>>
      %dma_start3A_96 = arith.constant 0 : i32
      %dma_start3A_97 = tpu.memref_slice %arg13[%add3A_65, %dma_start3A_96] : memref<10240x144xf32, #tpu.memory_space<vmem_shared>> -> memref<120x144xf32, #tpu.memory_space<vmem_shared>>
      tpu.enqueue_dma source(%dma_start3A_97 : memref<120x144xf32, #tpu.memory_space<vmem_shared>>) target(%dma_start3A_95 : memref<120x144xf32, #tpu.memory_space<vmem>>) target_semaphore(%run_scoped3A : memref<!tpu.dma_semaphore, #tpu.memory_space<semaphore_mem>>)
      %dma_wait3A_98 = arith.constant 0 : i32
      %dma_wait3A_99 = arith.constant 0 : i32
      %dma_wait3A_100 = tpu.memref_slice %arg11[%dma_wait3A_98, %dma_wait3A_99] : memref<125x144xf32, #tpu.memory_space<vmem>> -> memref<120x144xf32, #tpu.memory_space<vmem>>
      %dma_wait3A_101 = arith.constant 0 : i32
      %dma_wait3A_102 = tpu.memref_slice %arg13[%add3A_65, %dma_wait3A_101] : memref<10240x144xf32, #tpu.memory_space<vmem_shared>> -> memref<120x144xf32, #tpu.memory_space<vmem_shared>>
      %dma_wait3A_103 = arith.constant 0 : i32
      %dma_wait3A_104 = arith.constant 0 : i32
      %dma_wait3A_105 = tpu.memref_slice %arg11[%dma_wait3A_103, %dma_wait3A_104] : memref<125x144xf32, #tpu.memory_space<vmem>> -> memref<120x144xf32, #tpu.memory_space<vmem>>
      %dma_wait3A_106 = arith.constant 0 : i32
      %dma_wait3A_107 = tpu.memref_slice %arg13[%add3A_65, %dma_wait3A_106] : memref<10240x144xf32, #tpu.memory_space<vmem_shared>> -> memref<120x144xf32, #tpu.memory_space<vmem_shared>>
      tpu.wait_dma2 semaphore(%run_scoped3A : memref<!tpu.dma_semaphore, #tpu.memory_space<semaphore_mem>>) src(%dma_wait3A_107 : memref<120x144xf32, #tpu.memory_space<vmem_shared>>) dst(%dma_wait3A_105 : memref<120x144xf32, #tpu.memory_space<vmem>>)
      tpu.yield
    }) : () -> ()
    %add3A_66 = arith.constant 0 : i32
    %add3A_67 = arith.addi %mul3A_2, %add3A_66 : i32
    "tpu.region"() ({
      %run_scoped3A = tpu.sem_alloc : memref<!tpu.dma_semaphore, #tpu.memory_space<semaphore_mem>>
      %dma_start3A_88 = arith.constant 0 : i32
      %dma_start3A_89 = arith.constant 0 : i32
      %dma_start3A_90 = tpu.memref_slice %arg11[%dma_start3A_88, %dma_start3A_89] : memref<125x144xf32, #tpu.memory_space<vmem>> -> memref<120x144xf32, #tpu.memory_space<vmem>>
      %dma_start3A_91 = arith.constant 0 : i32
      %dma_start3A_92 = tpu.memref_slice %arg6[%arg0, %add3A_67, %dma_start3A_91] : memref<2x10240x144xf32, #tpu.memory_space<hbm>> -> memref<1x120x144xf32, #tpu.memory_space<hbm>>
      %dma_start3A_93 = tpu.memref_squeeze %dma_start3A_92 : memref<1x120x144xf32, #tpu.memory_space<hbm>> -> memref<120x144xf32, #tpu.memory_space<hbm>>
      %dma_start3A_94 = arith.constant 0 : i32
      %dma_start3A_95 = tpu.memref_slice %arg6[%arg0, %add3A_67, %dma_start3A_94] : memref<2x10240x144xf32, #tpu.memory_space<hbm>> -> memref<1x120x144xf32, #tpu.memory_space<hbm>>
      %dma_start3A_96 = tpu.memref_squeeze %dma_start3A_95 : memref<1x120x144xf32, #tpu.memory_space<hbm>> -> memref<120x144xf32, #tpu.memory_space<hbm>>
      %dma_start3A_97 = arith.constant 0 : i32
      %dma_start3A_98 = arith.constant 0 : i32
      %dma_start3A_99 = tpu.memref_slice %arg11[%dma_start3A_97, %dma_start3A_98] : memref<125x144xf32, #tpu.memory_space<vmem>> -> memref<120x144xf32, #tpu.memory_space<vmem>>
      tpu.enqueue_dma source(%dma_start3A_99 : memref<120x144xf32, #tpu.memory_space<vmem>>) target(%dma_start3A_96 : memref<120x144xf32, #tpu.memory_space<hbm>>) target_semaphore(%run_scoped3A : memref<!tpu.dma_semaphore, #tpu.memory_space<semaphore_mem>>)
      %dma_wait3A_100 = arith.constant 0 : i32
      %dma_wait3A_101 = arith.constant 0 : i32
      %dma_wait3A_102 = tpu.memref_slice %arg11[%dma_wait3A_100, %dma_wait3A_101] : memref<125x144xf32, #tpu.memory_space<vmem>> -> memref<120x144xf32, #tpu.memory_space<vmem>>
      %dma_wait3A_103 = arith.constant 0 : i32
      %dma_wait3A_104 = tpu.memref_slice %arg6[%arg0, %add3A_67, %dma_wait3A_103] : memref<2x10240x144xf32, #tpu.memory_space<hbm>> -> memref<1x120x144xf32, #tpu.memory_space<hbm>>
      %dma_wait3A_105 = tpu.memref_squeeze %dma_wait3A_104 : memref<1x120x144xf32, #tpu.memory_space<hbm>> -> memref<120x144xf32, #tpu.memory_space<hbm>>
      %dma_wait3A_106 = arith.constant 0 : i32
      %dma_wait3A_107 = tpu.memref_slice %arg6[%arg0, %add3A_67, %dma_wait3A_106] : memref<2x10240x144xf32, #tpu.memory_space<hbm>> -> memref<1x120x144xf32, #tpu.memory_space<hbm>>
      %dma_wait3A_108 = tpu.memref_squeeze %dma_wait3A_107 : memref<1x120x144xf32, #tpu.memory_space<hbm>> -> memref<120x144xf32, #tpu.memory_space<hbm>>
      %dma_wait3A_109 = arith.constant 0 : i32
      %dma_wait3A_110 = arith.constant 0 : i32
      %dma_wait3A_111 = tpu.memref_slice %arg11[%dma_wait3A_109, %dma_wait3A_110] : memref<125x144xf32, #tpu.memory_space<vmem>> -> memref<120x144xf32, #tpu.memory_space<vmem>>
      tpu.wait_dma2 semaphore(%run_scoped3A : memref<!tpu.dma_semaphore, #tpu.memory_space<semaphore_mem>>) src(%dma_wait3A_111 : memref<120x144xf32, #tpu.memory_space<vmem>>) dst(%dma_wait3A_108 : memref<120x144xf32, #tpu.memory_space<hbm>>)
      tpu.yield
    }) : () -> ()
    %add3A_68 = arith.constant 120 : i32
    %add3A_69 = arith.addi %mul3A_2, %add3A_68 : i32
    "tpu.region"() ({
      %run_scoped3A = tpu.sem_alloc : memref<!tpu.dma_semaphore, #tpu.memory_space<semaphore_mem>>
      %dma_start3A_88 = arith.constant 0 : i32
      %dma_start3A_89 = arith.constant 0 : i32
      %dma_start3A_90 = tpu.memref_slice %arg11[%dma_start3A_88, %dma_start3A_89] : memref<125x144xf32, #tpu.memory_space<vmem>> -> memref<120x144xf32, #tpu.memory_space<vmem>>
      %dma_start3A_91 = arith.constant 0 : i32
      %dma_start3A_92 = tpu.memref_slice %arg13[%add3A_69, %dma_start3A_91] : memref<10240x144xf32, #tpu.memory_space<vmem_shared>> -> memref<120x144xf32, #tpu.memory_space<vmem_shared>>
      %dma_start3A_93 = arith.constant 0 : i32
      %dma_start3A_94 = arith.constant 0 : i32
      %dma_start3A_95 = tpu.memref_slice %arg11[%dma_start3A_93, %dma_start3A_94] : memref<125x144xf32, #tpu.memory_space<vmem>> -> memref<120x144xf32, #tpu.memory_space<vmem>>
      %dma_start3A_96 = arith.constant 0 : i32
      %dma_start3A_97 = tpu.memref_slice %arg13[%add3A_69, %dma_start3A_96] : memref<10240x144xf32, #tpu.memory_space<vmem_shared>> -> memref<120x144xf32, #tpu.memory_space<vmem_shared>>
      tpu.enqueue_dma source(%dma_start3A_97 : memref<120x144xf32, #tpu.memory_space<vmem_shared>>) target(%dma_start3A_95 : memref<120x144xf32, #tpu.memory_space<vmem>>) target_semaphore(%run_scoped3A : memref<!tpu.dma_semaphore, #tpu.memory_space<semaphore_mem>>)
      %dma_wait3A_98 = arith.constant 0 : i32
      %dma_wait3A_99 = arith.constant 0 : i32
      %dma_wait3A_100 = tpu.memref_slice %arg11[%dma_wait3A_98, %dma_wait3A_99] : memref<125x144xf32, #tpu.memory_space<vmem>> -> memref<120x144xf32, #tpu.memory_space<vmem>>
      %dma_wait3A_101 = arith.constant 0 : i32
      %dma_wait3A_102 = tpu.memref_slice %arg13[%add3A_69, %dma_wait3A_101] : memref<10240x144xf32, #tpu.memory_space<vmem_shared>> -> memref<120x144xf32, #tpu.memory_space<vmem_shared>>
      %dma_wait3A_103 = arith.constant 0 : i32
      %dma_wait3A_104 = arith.constant 0 : i32
      %dma_wait3A_105 = tpu.memref_slice %arg11[%dma_wait3A_103, %dma_wait3A_104] : memref<125x144xf32, #tpu.memory_space<vmem>> -> memref<120x144xf32, #tpu.memory_space<vmem>>
      %dma_wait3A_106 = arith.constant 0 : i32
      %dma_wait3A_107 = tpu.memref_slice %arg13[%add3A_69, %dma_wait3A_106] : memref<10240x144xf32, #tpu.memory_space<vmem_shared>> -> memref<120x144xf32, #tpu.memory_space<vmem_shared>>
      tpu.wait_dma2 semaphore(%run_scoped3A : memref<!tpu.dma_semaphore, #tpu.memory_space<semaphore_mem>>) src(%dma_wait3A_107 : memref<120x144xf32, #tpu.memory_space<vmem_shared>>) dst(%dma_wait3A_105 : memref<120x144xf32, #tpu.memory_space<vmem>>)
      tpu.yield
    }) : () -> ()
    %add3A_70 = arith.constant 120 : i32
    %add3A_71 = arith.addi %mul3A_2, %add3A_70 : i32
    "tpu.region"() ({
      %run_scoped3A = tpu.sem_alloc : memref<!tpu.dma_semaphore, #tpu.memory_space<semaphore_mem>>
      %dma_start3A_88 = arith.constant 0 : i32
      %dma_start3A_89 = arith.constant 0 : i32
      %dma_start3A_90 = tpu.memref_slice %arg11[%dma_start3A_88, %dma_start3A_89] : memref<125x144xf32, #tpu.memory_space<vmem>> -> memref<120x144xf32, #tpu.memory_space<vmem>>
      %dma_start3A_91 = arith.constant 0 : i32
      %dma_start3A_92 = tpu.memref_slice %arg6[%arg0, %add3A_71, %dma_start3A_91] : memref<2x10240x144xf32, #tpu.memory_space<hbm>> -> memref<1x120x144xf32, #tpu.memory_space<hbm>>
      %dma_start3A_93 = tpu.memref_squeeze %dma_start3A_92 : memref<1x120x144xf32, #tpu.memory_space<hbm>> -> memref<120x144xf32, #tpu.memory_space<hbm>>
      %dma_start3A_94 = arith.constant 0 : i32
      %dma_start3A_95 = tpu.memref_slice %arg6[%arg0, %add3A_71, %dma_start3A_94] : memref<2x10240x144xf32, #tpu.memory_space<hbm>> -> memref<1x120x144xf32, #tpu.memory_space<hbm>>
      %dma_start3A_96 = tpu.memref_squeeze %dma_start3A_95 : memref<1x120x144xf32, #tpu.memory_space<hbm>> -> memref<120x144xf32, #tpu.memory_space<hbm>>
      %dma_start3A_97 = arith.constant 0 : i32
      %dma_start3A_98 = arith.constant 0 : i32
      %dma_start3A_99 = tpu.memref_slice %arg11[%dma_start3A_97, %dma_start3A_98] : memref<125x144xf32, #tpu.memory_space<vmem>> -> memref<120x144xf32, #tpu.memory_space<vmem>>
      tpu.enqueue_dma source(%dma_start3A_99 : memref<120x144xf32, #tpu.memory_space<vmem>>) target(%dma_start3A_96 : memref<120x144xf32, #tpu.memory_space<hbm>>) target_semaphore(%run_scoped3A : memref<!tpu.dma_semaphore, #tpu.memory_space<semaphore_mem>>)
      %dma_wait3A_100 = arith.constant 0 : i32
      %dma_wait3A_101 = arith.constant 0 : i32
      %dma_wait3A_102 = tpu.memref_slice %arg11[%dma_wait3A_100, %dma_wait3A_101] : memref<125x144xf32, #tpu.memory_space<vmem>> -> memref<120x144xf32, #tpu.memory_space<vmem>>
      %dma_wait3A_103 = arith.constant 0 : i32
      %dma_wait3A_104 = tpu.memref_slice %arg6[%arg0, %add3A_71, %dma_wait3A_103] : memref<2x10240x144xf32, #tpu.memory_space<hbm>> -> memref<1x120x144xf32, #tpu.memory_space<hbm>>
      %dma_wait3A_105 = tpu.memref_squeeze %dma_wait3A_104 : memref<1x120x144xf32, #tpu.memory_space<hbm>> -> memref<120x144xf32, #tpu.memory_space<hbm>>
      %dma_wait3A_106 = arith.constant 0 : i32
      %dma_wait3A_107 = tpu.memref_slice %arg6[%arg0, %add3A_71, %dma_wait3A_106] : memref<2x10240x144xf32, #tpu.memory_space<hbm>> -> memref<1x120x144xf32, #tpu.memory_space<hbm>>
      %dma_wait3A_108 = tpu.memref_squeeze %dma_wait3A_107 : memref<1x120x144xf32, #tpu.memory_space<hbm>> -> memref<120x144xf32, #tpu.memory_space<hbm>>
      %dma_wait3A_109 = arith.constant 0 : i32
      %dma_wait3A_110 = arith.constant 0 : i32
      %dma_wait3A_111 = tpu.memref_slice %arg11[%dma_wait3A_109, %dma_wait3A_110] : memref<125x144xf32, #tpu.memory_space<vmem>> -> memref<120x144xf32, #tpu.memory_space<vmem>>
      tpu.wait_dma2 semaphore(%run_scoped3A : memref<!tpu.dma_semaphore, #tpu.memory_space<semaphore_mem>>) src(%dma_wait3A_111 : memref<120x144xf32, #tpu.memory_space<vmem>>) dst(%dma_wait3A_108 : memref<120x144xf32, #tpu.memory_space<hbm>>)
      tpu.yield
    }) : () -> ()
    %add3A_72 = arith.constant 240 : i32
    %add3A_73 = arith.addi %mul3A_2, %add3A_72 : i32
    "tpu.region"() ({
      %run_scoped3A = tpu.sem_alloc : memref<!tpu.dma_semaphore, #tpu.memory_space<semaphore_mem>>
      %dma_start3A_88 = arith.constant 0 : i32
      %dma_start3A_89 = arith.constant 0 : i32
      %dma_start3A_90 = tpu.memref_slice %arg11[%dma_start3A_88, %dma_start3A_89] : memref<125x144xf32, #tpu.memory_space<vmem>> -> memref<120x144xf32, #tpu.memory_space<vmem>>
      %dma_start3A_91 = arith.constant 0 : i32
      %dma_start3A_92 = tpu.memref_slice %arg13[%add3A_73, %dma_start3A_91] : memref<10240x144xf32, #tpu.memory_space<vmem_shared>> -> memref<120x144xf32, #tpu.memory_space<vmem_shared>>
      %dma_start3A_93 = arith.constant 0 : i32
      %dma_start3A_94 = arith.constant 0 : i32
      %dma_start3A_95 = tpu.memref_slice %arg11[%dma_start3A_93, %dma_start3A_94] : memref<125x144xf32, #tpu.memory_space<vmem>> -> memref<120x144xf32, #tpu.memory_space<vmem>>
      %dma_start3A_96 = arith.constant 0 : i32
      %dma_start3A_97 = tpu.memref_slice %arg13[%add3A_73, %dma_start3A_96] : memref<10240x144xf32, #tpu.memory_space<vmem_shared>> -> memref<120x144xf32, #tpu.memory_space<vmem_shared>>
      tpu.enqueue_dma source(%dma_start3A_97 : memref<120x144xf32, #tpu.memory_space<vmem_shared>>) target(%dma_start3A_95 : memref<120x144xf32, #tpu.memory_space<vmem>>) target_semaphore(%run_scoped3A : memref<!tpu.dma_semaphore, #tpu.memory_space<semaphore_mem>>)
      %dma_wait3A_98 = arith.constant 0 : i32
      %dma_wait3A_99 = arith.constant 0 : i32
      %dma_wait3A_100 = tpu.memref_slice %arg11[%dma_wait3A_98, %dma_wait3A_99] : memref<125x144xf32, #tpu.memory_space<vmem>> -> memref<120x144xf32, #tpu.memory_space<vmem>>
      %dma_wait3A_101 = arith.constant 0 : i32
      %dma_wait3A_102 = tpu.memref_slice %arg13[%add3A_73, %dma_wait3A_101] : memref<10240x144xf32, #tpu.memory_space<vmem_shared>> -> memref<120x144xf32, #tpu.memory_space<vmem_shared>>
      %dma_wait3A_103 = arith.constant 0 : i32
      %dma_wait3A_104 = arith.constant 0 : i32
      %dma_wait3A_105 = tpu.memref_slice %arg11[%dma_wait3A_103, %dma_wait3A_104] : memref<125x144xf32, #tpu.memory_space<vmem>> -> memref<120x144xf32, #tpu.memory_space<vmem>>
      %dma_wait3A_106 = arith.constant 0 : i32
      %dma_wait3A_107 = tpu.memref_slice %arg13[%add3A_73, %dma_wait3A_106] : memref<10240x144xf32, #tpu.memory_space<vmem_shared>> -> memref<120x144xf32, #tpu.memory_space<vmem_shared>>
      tpu.wait_dma2 semaphore(%run_scoped3A : memref<!tpu.dma_semaphore, #tpu.memory_space<semaphore_mem>>) src(%dma_wait3A_107 : memref<120x144xf32, #tpu.memory_space<vmem_shared>>) dst(%dma_wait3A_105 : memref<120x144xf32, #tpu.memory_space<vmem>>)
      tpu.yield
    }) : () -> ()
    %add3A_74 = arith.constant 240 : i32
    %add3A_75 = arith.addi %mul3A_2, %add3A_74 : i32
    "tpu.region"() ({
      %run_scoped3A = tpu.sem_alloc : memref<!tpu.dma_semaphore, #tpu.memory_space<semaphore_mem>>
      %dma_start3A_88 = arith.constant 0 : i32
      %dma_start3A_89 = arith.constant 0 : i32
      %dma_start3A_90 = tpu.memref_slice %arg11[%dma_start3A_88, %dma_start3A_89] : memref<125x144xf32, #tpu.memory_space<vmem>> -> memref<120x144xf32, #tpu.memory_space<vmem>>
      %dma_start3A_91 = arith.constant 0 : i32
      %dma_start3A_92 = tpu.memref_slice %arg6[%arg0, %add3A_75, %dma_start3A_91] : memref<2x10240x144xf32, #tpu.memory_space<hbm>> -> memref<1x120x144xf32, #tpu.memory_space<hbm>>
      %dma_start3A_93 = tpu.memref_squeeze %dma_start3A_92 : memref<1x120x144xf32, #tpu.memory_space<hbm>> -> memref<120x144xf32, #tpu.memory_space<hbm>>
      %dma_start3A_94 = arith.constant 0 : i32
      %dma_start3A_95 = tpu.memref_slice %arg6[%arg0, %add3A_75, %dma_start3A_94] : memref<2x10240x144xf32, #tpu.memory_space<hbm>> -> memref<1x120x144xf32, #tpu.memory_space<hbm>>
      %dma_start3A_96 = tpu.memref_squeeze %dma_start3A_95 : memref<1x120x144xf32, #tpu.memory_space<hbm>> -> memref<120x144xf32, #tpu.memory_space<hbm>>
      %dma_start3A_97 = arith.constant 0 : i32
      %dma_start3A_98 = arith.constant 0 : i32
      %dma_start3A_99 = tpu.memref_slice %arg11[%dma_start3A_97, %dma_start3A_98] : memref<125x144xf32, #tpu.memory_space<vmem>> -> memref<120x144xf32, #tpu.memory_space<vmem>>
      tpu.enqueue_dma source(%dma_start3A_99 : memref<120x144xf32, #tpu.memory_space<vmem>>) target(%dma_start3A_96 : memref<120x144xf32, #tpu.memory_space<hbm>>) target_semaphore(%run_scoped3A : memref<!tpu.dma_semaphore, #tpu.memory_space<semaphore_mem>>)
      %dma_wait3A_100 = arith.constant 0 : i32
      %dma_wait3A_101 = arith.constant 0 : i32
      %dma_wait3A_102 = tpu.memref_slice %arg11[%dma_wait3A_100, %dma_wait3A_101] : memref<125x144xf32, #tpu.memory_space<vmem>> -> memref<120x144xf32, #tpu.memory_space<vmem>>
      %dma_wait3A_103 = arith.constant 0 : i32
      %dma_wait3A_104 = tpu.memref_slice %arg6[%arg0, %add3A_75, %dma_wait3A_103] : memref<2x10240x144xf32, #tpu.memory_space<hbm>> -> memref<1x120x144xf32, #tpu.memory_space<hbm>>
      %dma_wait3A_105 = tpu.memref_squeeze %dma_wait3A_104 : memref<1x120x144xf32, #tpu.memory_space<hbm>> -> memref<120x144xf32, #tpu.memory_space<hbm>>
      %dma_wait3A_106 = arith.constant 0 : i32
      %dma_wait3A_107 = tpu.memref_slice %arg6[%arg0, %add3A_75, %dma_wait3A_106] : memref<2x10240x144xf32, #tpu.memory_space<hbm>> -> memref<1x120x144xf32, #tpu.memory_space<hbm>>
      %dma_wait3A_108 = tpu.memref_squeeze %dma_wait3A_107 : memref<1x120x144xf32, #tpu.memory_space<hbm>> -> memref<120x144xf32, #tpu.memory_space<hbm>>
      %dma_wait3A_109 = arith.constant 0 : i32
      %dma_wait3A_110 = arith.constant 0 : i32
      %dma_wait3A_111 = tpu.memref_slice %arg11[%dma_wait3A_109, %dma_wait3A_110] : memref<125x144xf32, #tpu.memory_space<vmem>> -> memref<120x144xf32, #tpu.memory_space<vmem>>
      tpu.wait_dma2 semaphore(%run_scoped3A : memref<!tpu.dma_semaphore, #tpu.memory_space<semaphore_mem>>) src(%dma_wait3A_111 : memref<120x144xf32, #tpu.memory_space<vmem>>) dst(%dma_wait3A_108 : memref<120x144xf32, #tpu.memory_space<hbm>>)
      tpu.yield
    }) : () -> ()
    %add3A_76 = arith.constant 360 : i32
    %add3A_77 = arith.addi %mul3A_2, %add3A_76 : i32
    "tpu.region"() ({
      %run_scoped3A = tpu.sem_alloc : memref<!tpu.dma_semaphore, #tpu.memory_space<semaphore_mem>>
      %dma_start3A_88 = arith.constant 0 : i32
      %dma_start3A_89 = arith.constant 0 : i32
      %dma_start3A_90 = tpu.memref_slice %arg11[%dma_start3A_88, %dma_start3A_89] : memref<125x144xf32, #tpu.memory_space<vmem>> -> memref<120x144xf32, #tpu.memory_space<vmem>>
      %dma_start3A_91 = arith.constant 0 : i32
      %dma_start3A_92 = tpu.memref_slice %arg13[%add3A_77, %dma_start3A_91] : memref<10240x144xf32, #tpu.memory_space<vmem_shared>> -> memref<120x144xf32, #tpu.memory_space<vmem_shared>>
      %dma_start3A_93 = arith.constant 0 : i32
      %dma_start3A_94 = arith.constant 0 : i32
      %dma_start3A_95 = tpu.memref_slice %arg11[%dma_start3A_93, %dma_start3A_94] : memref<125x144xf32, #tpu.memory_space<vmem>> -> memref<120x144xf32, #tpu.memory_space<vmem>>
      %dma_start3A_96 = arith.constant 0 : i32
      %dma_start3A_97 = tpu.memref_slice %arg13[%add3A_77, %dma_start3A_96] : memref<10240x144xf32, #tpu.memory_space<vmem_shared>> -> memref<120x144xf32, #tpu.memory_space<vmem_shared>>
      tpu.enqueue_dma source(%dma_start3A_97 : memref<120x144xf32, #tpu.memory_space<vmem_shared>>) target(%dma_start3A_95 : memref<120x144xf32, #tpu.memory_space<vmem>>) target_semaphore(%run_scoped3A : memref<!tpu.dma_semaphore, #tpu.memory_space<semaphore_mem>>)
      %dma_wait3A_98 = arith.constant 0 : i32
      %dma_wait3A_99 = arith.constant 0 : i32
      %dma_wait3A_100 = tpu.memref_slice %arg11[%dma_wait3A_98, %dma_wait3A_99] : memref<125x144xf32, #tpu.memory_space<vmem>> -> memref<120x144xf32, #tpu.memory_space<vmem>>
      %dma_wait3A_101 = arith.constant 0 : i32
      %dma_wait3A_102 = tpu.memref_slice %arg13[%add3A_77, %dma_wait3A_101] : memref<10240x144xf32, #tpu.memory_space<vmem_shared>> -> memref<120x144xf32, #tpu.memory_space<vmem_shared>>
      %dma_wait3A_103 = arith.constant 0 : i32
      %dma_wait3A_104 = arith.constant 0 : i32
      %dma_wait3A_105 = tpu.memref_slice %arg11[%dma_wait3A_103, %dma_wait3A_104] : memref<125x144xf32, #tpu.memory_space<vmem>> -> memref<120x144xf32, #tpu.memory_space<vmem>>
      %dma_wait3A_106 = arith.constant 0 : i32
      %dma_wait3A_107 = tpu.memref_slice %arg13[%add3A_77, %dma_wait3A_106] : memref<10240x144xf32, #tpu.memory_space<vmem_shared>> -> memref<120x144xf32, #tpu.memory_space<vmem_shared>>
      tpu.wait_dma2 semaphore(%run_scoped3A : memref<!tpu.dma_semaphore, #tpu.memory_space<semaphore_mem>>) src(%dma_wait3A_107 : memref<120x144xf32, #tpu.memory_space<vmem_shared>>) dst(%dma_wait3A_105 : memref<120x144xf32, #tpu.memory_space<vmem>>)
      tpu.yield
    }) : () -> ()
    %add3A_78 = arith.constant 360 : i32
    %add3A_79 = arith.addi %mul3A_2, %add3A_78 : i32
    "tpu.region"() ({
      %run_scoped3A = tpu.sem_alloc : memref<!tpu.dma_semaphore, #tpu.memory_space<semaphore_mem>>
      %dma_start3A_88 = arith.constant 0 : i32
      %dma_start3A_89 = arith.constant 0 : i32
      %dma_start3A_90 = tpu.memref_slice %arg11[%dma_start3A_88, %dma_start3A_89] : memref<125x144xf32, #tpu.memory_space<vmem>> -> memref<120x144xf32, #tpu.memory_space<vmem>>
      %dma_start3A_91 = arith.constant 0 : i32
      %dma_start3A_92 = tpu.memref_slice %arg6[%arg0, %add3A_79, %dma_start3A_91] : memref<2x10240x144xf32, #tpu.memory_space<hbm>> -> memref<1x120x144xf32, #tpu.memory_space<hbm>>
      %dma_start3A_93 = tpu.memref_squeeze %dma_start3A_92 : memref<1x120x144xf32, #tpu.memory_space<hbm>> -> memref<120x144xf32, #tpu.memory_space<hbm>>
      %dma_start3A_94 = arith.constant 0 : i32
      %dma_start3A_95 = tpu.memref_slice %arg6[%arg0, %add3A_79, %dma_start3A_94] : memref<2x10240x144xf32, #tpu.memory_space<hbm>> -> memref<1x120x144xf32, #tpu.memory_space<hbm>>
      %dma_start3A_96 = tpu.memref_squeeze %dma_start3A_95 : memref<1x120x144xf32, #tpu.memory_space<hbm>> -> memref<120x144xf32, #tpu.memory_space<hbm>>
      %dma_start3A_97 = arith.constant 0 : i32
      %dma_start3A_98 = arith.constant 0 : i32
      %dma_start3A_99 = tpu.memref_slice %arg11[%dma_start3A_97, %dma_start3A_98] : memref<125x144xf32, #tpu.memory_space<vmem>> -> memref<120x144xf32, #tpu.memory_space<vmem>>
      tpu.enqueue_dma source(%dma_start3A_99 : memref<120x144xf32, #tpu.memory_space<vmem>>) target(%dma_start3A_96 : memref<120x144xf32, #tpu.memory_space<hbm>>) target_semaphore(%run_scoped3A : memref<!tpu.dma_semaphore, #tpu.memory_space<semaphore_mem>>)
      %dma_wait3A_100 = arith.constant 0 : i32
      %dma_wait3A_101 = arith.constant 0 : i32
      %dma_wait3A_102 = tpu.memref_slice %arg11[%dma_wait3A_100, %dma_wait3A_101] : memref<125x144xf32, #tpu.memory_space<vmem>> -> memref<120x144xf32, #tpu.memory_space<vmem>>
      %dma_wait3A_103 = arith.constant 0 : i32
      %dma_wait3A_104 = tpu.memref_slice %arg6[%arg0, %add3A_79, %dma_wait3A_103] : memref<2x10240x144xf32, #tpu.memory_space<hbm>> -> memref<1x120x144xf32, #tpu.memory_space<hbm>>
      %dma_wait3A_105 = tpu.memref_squeeze %dma_wait3A_104 : memref<1x120x144xf32, #tpu.memory_space<hbm>> -> memref<120x144xf32, #tpu.memory_space<hbm>>
      %dma_wait3A_106 = arith.constant 0 : i32
      %dma_wait3A_107 = tpu.memref_slice %arg6[%arg0, %add3A_79, %dma_wait3A_106] : memref<2x10240x144xf32, #tpu.memory_space<hbm>> -> memref<1x120x144xf32, #tpu.memory_space<hbm>>
      %dma_wait3A_108 = tpu.memref_squeeze %dma_wait3A_107 : memref<1x120x144xf32, #tpu.memory_space<hbm>> -> memref<120x144xf32, #tpu.memory_space<hbm>>
      %dma_wait3A_109 = arith.constant 0 : i32
      %dma_wait3A_110 = arith.constant 0 : i32
      %dma_wait3A_111 = tpu.memref_slice %arg11[%dma_wait3A_109, %dma_wait3A_110] : memref<125x144xf32, #tpu.memory_space<vmem>> -> memref<120x144xf32, #tpu.memory_space<vmem>>
      tpu.wait_dma2 semaphore(%run_scoped3A : memref<!tpu.dma_semaphore, #tpu.memory_space<semaphore_mem>>) src(%dma_wait3A_111 : memref<120x144xf32, #tpu.memory_space<vmem>>) dst(%dma_wait3A_108 : memref<120x144xf32, #tpu.memory_space<hbm>>)
      tpu.yield
    }) : () -> ()
    %add3A_80 = arith.constant 480 : i32
    %add3A_81 = arith.addi %mul3A_2, %add3A_80 : i32
    "tpu.region"() ({
      %run_scoped3A = tpu.sem_alloc : memref<!tpu.dma_semaphore, #tpu.memory_space<semaphore_mem>>
      %dma_start3A_88 = arith.constant 0 : i32
      %dma_start3A_89 = arith.constant 0 : i32
      %dma_start3A_90 = tpu.memref_slice %arg11[%dma_start3A_88, %dma_start3A_89] : memref<125x144xf32, #tpu.memory_space<vmem>> -> memref<120x144xf32, #tpu.memory_space<vmem>>
      %dma_start3A_91 = arith.constant 0 : i32
      %dma_start3A_92 = tpu.memref_slice %arg13[%add3A_81, %dma_start3A_91] : memref<10240x144xf32, #tpu.memory_space<vmem_shared>> -> memref<120x144xf32, #tpu.memory_space<vmem_shared>>
      %dma_start3A_93 = arith.constant 0 : i32
      %dma_start3A_94 = arith.constant 0 : i32
      %dma_start3A_95 = tpu.memref_slice %arg11[%dma_start3A_93, %dma_start3A_94] : memref<125x144xf32, #tpu.memory_space<vmem>> -> memref<120x144xf32, #tpu.memory_space<vmem>>
      %dma_start3A_96 = arith.constant 0 : i32
      %dma_start3A_97 = tpu.memref_slice %arg13[%add3A_81, %dma_start3A_96] : memref<10240x144xf32, #tpu.memory_space<vmem_shared>> -> memref<120x144xf32, #tpu.memory_space<vmem_shared>>
      tpu.enqueue_dma source(%dma_start3A_97 : memref<120x144xf32, #tpu.memory_space<vmem_shared>>) target(%dma_start3A_95 : memref<120x144xf32, #tpu.memory_space<vmem>>) target_semaphore(%run_scoped3A : memref<!tpu.dma_semaphore, #tpu.memory_space<semaphore_mem>>)
      %dma_wait3A_98 = arith.constant 0 : i32
      %dma_wait3A_99 = arith.constant 0 : i32
      %dma_wait3A_100 = tpu.memref_slice %arg11[%dma_wait3A_98, %dma_wait3A_99] : memref<125x144xf32, #tpu.memory_space<vmem>> -> memref<120x144xf32, #tpu.memory_space<vmem>>
      %dma_wait3A_101 = arith.constant 0 : i32
      %dma_wait3A_102 = tpu.memref_slice %arg13[%add3A_81, %dma_wait3A_101] : memref<10240x144xf32, #tpu.memory_space<vmem_shared>> -> memref<120x144xf32, #tpu.memory_space<vmem_shared>>
      %dma_wait3A_103 = arith.constant 0 : i32
      %dma_wait3A_104 = arith.constant 0 : i32
      %dma_wait3A_105 = tpu.memref_slice %arg11[%dma_wait3A_103, %dma_wait3A_104] : memref<125x144xf32, #tpu.memory_space<vmem>> -> memref<120x144xf32, #tpu.memory_space<vmem>>
      %dma_wait3A_106 = arith.constant 0 : i32
      %dma_wait3A_107 = tpu.memref_slice %arg13[%add3A_81, %dma_wait3A_106] : memref<10240x144xf32, #tpu.memory_space<vmem_shared>> -> memref<120x144xf32, #tpu.memory_space<vmem_shared>>
      tpu.wait_dma2 semaphore(%run_scoped3A : memref<!tpu.dma_semaphore, #tpu.memory_space<semaphore_mem>>) src(%dma_wait3A_107 : memref<120x144xf32, #tpu.memory_space<vmem_shared>>) dst(%dma_wait3A_105 : memref<120x144xf32, #tpu.memory_space<vmem>>)
      tpu.yield
    }) : () -> ()
    %add3A_82 = arith.constant 480 : i32
    %add3A_83 = arith.addi %mul3A_2, %add3A_82 : i32
    "tpu.region"() ({
      %run_scoped3A = tpu.sem_alloc : memref<!tpu.dma_semaphore, #tpu.memory_space<semaphore_mem>>
      %dma_start3A_88 = arith.constant 0 : i32
      %dma_start3A_89 = arith.constant 0 : i32
      %dma_start3A_90 = tpu.memref_slice %arg11[%dma_start3A_88, %dma_start3A_89] : memref<125x144xf32, #tpu.memory_space<vmem>> -> memref<120x144xf32, #tpu.memory_space<vmem>>
      %dma_start3A_91 = arith.constant 0 : i32
      %dma_start3A_92 = tpu.memref_slice %arg6[%arg0, %add3A_83, %dma_start3A_91] : memref<2x10240x144xf32, #tpu.memory_space<hbm>> -> memref<1x120x144xf32, #tpu.memory_space<hbm>>
      %dma_start3A_93 = tpu.memref_squeeze %dma_start3A_92 : memref<1x120x144xf32, #tpu.memory_space<hbm>> -> memref<120x144xf32, #tpu.memory_space<hbm>>
      %dma_start3A_94 = arith.constant 0 : i32
      %dma_start3A_95 = tpu.memref_slice %arg6[%arg0, %add3A_83, %dma_start3A_94] : memref<2x10240x144xf32, #tpu.memory_space<hbm>> -> memref<1x120x144xf32, #tpu.memory_space<hbm>>
      %dma_start3A_96 = tpu.memref_squeeze %dma_start3A_95 : memref<1x120x144xf32, #tpu.memory_space<hbm>> -> memref<120x144xf32, #tpu.memory_space<hbm>>
      %dma_start3A_97 = arith.constant 0 : i32
      %dma_start3A_98 = arith.constant 0 : i32
      %dma_start3A_99 = tpu.memref_slice %arg11[%dma_start3A_97, %dma_start3A_98] : memref<125x144xf32, #tpu.memory_space<vmem>> -> memref<120x144xf32, #tpu.memory_space<vmem>>
      tpu.enqueue_dma source(%dma_start3A_99 : memref<120x144xf32, #tpu.memory_space<vmem>>) target(%dma_start3A_96 : memref<120x144xf32, #tpu.memory_space<hbm>>) target_semaphore(%run_scoped3A : memref<!tpu.dma_semaphore, #tpu.memory_space<semaphore_mem>>)
      %dma_wait3A_100 = arith.constant 0 : i32
      %dma_wait3A_101 = arith.constant 0 : i32
      %dma_wait3A_102 = tpu.memref_slice %arg11[%dma_wait3A_100, %dma_wait3A_101] : memref<125x144xf32, #tpu.memory_space<vmem>> -> memref<120x144xf32, #tpu.memory_space<vmem>>
      %dma_wait3A_103 = arith.constant 0 : i32
      %dma_wait3A_104 = tpu.memref_slice %arg6[%arg0, %add3A_83, %dma_wait3A_103] : memref<2x10240x144xf32, #tpu.memory_space<hbm>> -> memref<1x120x144xf32, #tpu.memory_space<hbm>>
      %dma_wait3A_105 = tpu.memref_squeeze %dma_wait3A_104 : memref<1x120x144xf32, #tpu.memory_space<hbm>> -> memref<120x144xf32, #tpu.memory_space<hbm>>
      %dma_wait3A_106 = arith.constant 0 : i32
      %dma_wait3A_107 = tpu.memref_slice %arg6[%arg0, %add3A_83, %dma_wait3A_106] : memref<2x10240x144xf32, #tpu.memory_space<hbm>> -> memref<1x120x144xf32, #tpu.memory_space<hbm>>
      %dma_wait3A_108 = tpu.memref_squeeze %dma_wait3A_107 : memref<1x120x144xf32, #tpu.memory_space<hbm>> -> memref<120x144xf32, #tpu.memory_space<hbm>>
      %dma_wait3A_109 = arith.constant 0 : i32
      %dma_wait3A_110 = arith.constant 0 : i32
      %dma_wait3A_111 = tpu.memref_slice %arg11[%dma_wait3A_109, %dma_wait3A_110] : memref<125x144xf32, #tpu.memory_space<vmem>> -> memref<120x144xf32, #tpu.memory_space<vmem>>
      tpu.wait_dma2 semaphore(%run_scoped3A : memref<!tpu.dma_semaphore, #tpu.memory_space<semaphore_mem>>) src(%dma_wait3A_111 : memref<120x144xf32, #tpu.memory_space<vmem>>) dst(%dma_wait3A_108 : memref<120x144xf32, #tpu.memory_space<hbm>>)
      tpu.yield
    }) : () -> ()
    %add3A_84 = arith.constant 600 : i32
    %add3A_85 = arith.addi %mul3A_2, %add3A_84 : i32
    "tpu.region"() ({
      %run_scoped3A = tpu.sem_alloc : memref<!tpu.dma_semaphore, #tpu.memory_space<semaphore_mem>>
      %dma_start3A_88 = arith.constant 0 : i32
      %dma_start3A_89 = arith.constant 0 : i32
      %dma_start3A_90 = tpu.memref_slice %arg11[%dma_start3A_88, %dma_start3A_89] : memref<125x144xf32, #tpu.memory_space<vmem>> -> memref<40x144xf32, #tpu.memory_space<vmem>>
      %dma_start3A_91 = arith.constant 0 : i32
      %dma_start3A_92 = tpu.memref_slice %arg13[%add3A_85, %dma_start3A_91] : memref<10240x144xf32, #tpu.memory_space<vmem_shared>> -> memref<40x144xf32, #tpu.memory_space<vmem_shared>>
      %dma_start3A_93 = arith.constant 0 : i32
      %dma_start3A_94 = arith.constant 0 : i32
      %dma_start3A_95 = tpu.memref_slice %arg11[%dma_start3A_93, %dma_start3A_94] : memref<125x144xf32, #tpu.memory_space<vmem>> -> memref<40x144xf32, #tpu.memory_space<vmem>>
      %dma_start3A_96 = arith.constant 0 : i32
      %dma_start3A_97 = tpu.memref_slice %arg13[%add3A_85, %dma_start3A_96] : memref<10240x144xf32, #tpu.memory_space<vmem_shared>> -> memref<40x144xf32, #tpu.memory_space<vmem_shared>>
      tpu.enqueue_dma source(%dma_start3A_97 : memref<40x144xf32, #tpu.memory_space<vmem_shared>>) target(%dma_start3A_95 : memref<40x144xf32, #tpu.memory_space<vmem>>) target_semaphore(%run_scoped3A : memref<!tpu.dma_semaphore, #tpu.memory_space<semaphore_mem>>)
      %dma_wait3A_98 = arith.constant 0 : i32
      %dma_wait3A_99 = arith.constant 0 : i32
      %dma_wait3A_100 = tpu.memref_slice %arg11[%dma_wait3A_98, %dma_wait3A_99] : memref<125x144xf32, #tpu.memory_space<vmem>> -> memref<40x144xf32, #tpu.memory_space<vmem>>
      %dma_wait3A_101 = arith.constant 0 : i32
      %dma_wait3A_102 = tpu.memref_slice %arg13[%add3A_85, %dma_wait3A_101] : memref<10240x144xf32, #tpu.memory_space<vmem_shared>> -> memref<40x144xf32, #tpu.memory_space<vmem_shared>>
      %dma_wait3A_103 = arith.constant 0 : i32
      %dma_wait3A_104 = arith.constant 0 : i32
      %dma_wait3A_105 = tpu.memref_slice %arg11[%dma_wait3A_103, %dma_wait3A_104] : memref<125x144xf32, #tpu.memory_space<vmem>> -> memref<40x144xf32, #tpu.memory_space<vmem>>
      %dma_wait3A_106 = arith.constant 0 : i32
      %dma_wait3A_107 = tpu.memref_slice %arg13[%add3A_85, %dma_wait3A_106] : memref<10240x144xf32, #tpu.memory_space<vmem_shared>> -> memref<40x144xf32, #tpu.memory_space<vmem_shared>>
      tpu.wait_dma2 semaphore(%run_scoped3A : memref<!tpu.dma_semaphore, #tpu.memory_space<semaphore_mem>>) src(%dma_wait3A_107 : memref<40x144xf32, #tpu.memory_space<vmem_shared>>) dst(%dma_wait3A_105 : memref<40x144xf32, #tpu.memory_space<vmem>>)
      tpu.yield
    }) : () -> ()
    %add3A_86 = arith.constant 600 : i32
    %add3A_87 = arith.addi %mul3A_2, %add3A_86 : i32
    "tpu.region"() ({
      %run_scoped3A = tpu.sem_alloc : memref<!tpu.dma_semaphore, #tpu.memory_space<semaphore_mem>>
      %dma_start3A_88 = arith.constant 0 : i32
      %dma_start3A_89 = arith.constant 0 : i32
      %dma_start3A_90 = tpu.memref_slice %arg11[%dma_start3A_88, %dma_start3A_89] : memref<125x144xf32, #tpu.memory_space<vmem>> -> memref<40x144xf32, #tpu.memory_space<vmem>>
      %dma_start3A_91 = arith.constant 0 : i32
      %dma_start3A_92 = tpu.memref_slice %arg6[%arg0, %add3A_87, %dma_start3A_91] : memref<2x10240x144xf32, #tpu.memory_space<hbm>> -> memref<1x40x144xf32, #tpu.memory_space<hbm>>
      %dma_start3A_93 = tpu.memref_squeeze %dma_start3A_92 : memref<1x40x144xf32, #tpu.memory_space<hbm>> -> memref<40x144xf32, #tpu.memory_space<hbm>>
      %dma_start3A_94 = arith.constant 0 : i32
      %dma_start3A_95 = tpu.memref_slice %arg6[%arg0, %add3A_87, %dma_start3A_94] : memref<2x10240x144xf32, #tpu.memory_space<hbm>> -> memref<1x40x144xf32, #tpu.memory_space<hbm>>
      %dma_start3A_96 = tpu.memref_squeeze %dma_start3A_95 : memref<1x40x144xf32, #tpu.memory_space<hbm>> -> memref<40x144xf32, #tpu.memory_space<hbm>>
      %dma_start3A_97 = arith.constant 0 : i32
      %dma_start3A_98 = arith.constant 0 : i32
      %dma_start3A_99 = tpu.memref_slice %arg11[%dma_start3A_97, %dma_start3A_98] : memref<125x144xf32, #tpu.memory_space<vmem>> -> memref<40x144xf32, #tpu.memory_space<vmem>>
      tpu.enqueue_dma source(%dma_start3A_99 : memref<40x144xf32, #tpu.memory_space<vmem>>) target(%dma_start3A_96 : memref<40x144xf32, #tpu.memory_space<hbm>>) target_semaphore(%run_scoped3A : memref<!tpu.dma_semaphore, #tpu.memory_space<semaphore_mem>>)
      %dma_wait3A_100 = arith.constant 0 : i32
      %dma_wait3A_101 = arith.constant 0 : i32
      %dma_wait3A_102 = tpu.memref_slice %arg11[%dma_wait3A_100, %dma_wait3A_101] : memref<125x144xf32, #tpu.memory_space<vmem>> -> memref<40x144xf32, #tpu.memory_space<vmem>>
      %dma_wait3A_103 = arith.constant 0 : i32
      %dma_wait3A_104 = tpu.memref_slice %arg6[%arg0, %add3A_87, %dma_wait3A_103] : memref<2x10240x144xf32, #tpu.memory_space<hbm>> -> memref<1x40x144xf32, #tpu.memory_space<hbm>>
      %dma_wait3A_105 = tpu.memref_squeeze %dma_wait3A_104 : memref<1x40x144xf32, #tpu.memory_space<hbm>> -> memref<40x144xf32, #tpu.memory_space<hbm>>
      %dma_wait3A_106 = arith.constant 0 : i32
      %dma_wait3A_107 = tpu.memref_slice %arg6[%arg0, %add3A_87, %dma_wait3A_106] : memref<2x10240x144xf32, #tpu.memory_space<hbm>> -> memref<1x40x144xf32, #tpu.memory_space<hbm>>
      %dma_wait3A_108 = tpu.memref_squeeze %dma_wait3A_107 : memref<1x40x144xf32, #tpu.memory_space<hbm>> -> memref<40x144xf32, #tpu.memory_space<hbm>>
      %dma_wait3A_109 = arith.constant 0 : i32
      %dma_wait3A_110 = arith.constant 0 : i32
      %dma_wait3A_111 = tpu.memref_slice %arg11[%dma_wait3A_109, %dma_wait3A_110] : memref<125x144xf32, #tpu.memory_space<vmem>> -> memref<40x144xf32, #tpu.memory_space<vmem>>
      tpu.wait_dma2 semaphore(%run_scoped3A : memref<!tpu.dma_semaphore, #tpu.memory_space<semaphore_mem>>) src(%dma_wait3A_111 : memref<40x144xf32, #tpu.memory_space<vmem>>) dst(%dma_wait3A_108 : memref<40x144xf32, #tpu.memory_space<hbm>>)
      tpu.yield
    }) : () -> ()
    return
  }
}

module attributes {stable_mosaic.version = 14 : i64} {
  func.func @_softmax_ext_body(%arg0: i32, %arg1: memref<1000x128xf32, #tpu.memory_space<vmem>>, %arg2: memref<1000x144xf32, #tpu.memory_space<vmem>>) attributes {dimension_semantics = [#tpu.dimension_semantics<arbitrary>], iteration_bounds = array<i64: 10>, scalar_prefetch = 0 : i64, scratch_operands = 0 : i64, tpu.core_type = #tpu.core_type<tc>, window_params = [{transform_indices = @transform_0, window_bounds = array<i64: 1000, 128>}, {transform_indices = @transform_1, window_bounds = array<i64: 1000, 144>}]} {
    %get3A = arith.constant 0 : index
    %get3A_0 = arith.constant 0 : index
    %get3A_1 = vector.load %arg1[%get3A, %get3A_0] : memref<1000x128xf32, #tpu.memory_space<vmem>>, vector<1000x128xf32>
    %reduce_max3A = arith.constant dense<0xFF800000> : vector<1000xf32>
    %reduce_max3A_2 = vector.multi_reduction <maximumf>, %get3A_1, %reduce_max3A [1] : vector<1000x128xf32> to vector<1000xf32>
    %broadcast_in_dim3A = vector.shape_cast %reduce_max3A_2 : vector<1000xf32> to vector<1000x1xf32>
    %sub3A = vector.broadcast %broadcast_in_dim3A : vector<1000x1xf32> to vector<1000x128xf32>
    %sub3A_3 = arith.subf %get3A_1, %sub3A : vector<1000x128xf32>
    %exp3A = math.exp %sub3A_3 : vector<1000x128xf32>
    %reduce_sum3A = arith.constant dense<0.000000e+00> : vector<1000xf32>
    %reduce_sum3A_4 = vector.multi_reduction <add>, %exp3A, %reduce_sum3A [1] : vector<1000x128xf32> to vector<1000xf32>
    %broadcast_in_dim3A_5 = vector.shape_cast %reduce_sum3A_4 : vector<1000xf32> to vector<1000x1xf32>
    %div3A = vector.broadcast %broadcast_in_dim3A_5 : vector<1000x1xf32> to vector<1000x128xf32>
    %div3A_6 = arith.divf %exp3A, %div3A : vector<1000x128xf32>
    %iota3A = tpu.iota {dimensions = array<i32: 1>} : vector<1000x16xi32>
    %eq3A = arith.constant 0 : i32
    %eq3A_7 = vector.broadcast %eq3A : i32 to vector<1000x16xi32>
    %eq3A_8 = arith.cmpi eq, %iota3A, %eq3A_7 : vector<1000x16xi32>
    %jit3A = arith.constant 1.000000e+00 : f32
    %jit3A_9 = arith.constant 0.000000e+00 : f32
    %broadcast_in_dim3A_10 = vector.broadcast %jit3A : f32 to vector<1000x16xf32>
    %broadcast_in_dim3A_11 = vector.broadcast %jit3A_9 : f32 to vector<1000x16xf32>
    %select_n3A = arith.select %eq3A_8, %broadcast_in_dim3A_10, %broadcast_in_dim3A_11 : vector<1000x16xi1>, vector<1000x16xf32>
    %concatenate3A = tpu.concatenate %div3A_6, %select_n3A in 1 : vector<1000x128xf32>, vector<1000x16xf32> -> vector<1000x144xf32>
    %swap3A = arith.constant 0 : index
    %swap3A_12 = arith.constant 0 : index
    %swap3A_13 = vector.load %arg2[%swap3A, %swap3A_12] : memref<1000x144xf32, #tpu.memory_space<vmem>>, vector<1000x144xf32>
    tpu.vector_store %arg2[%swap3A, %swap3A_12], %concatenate3A {strides = array<i32>} : memref<1000x144xf32, #tpu.memory_space<vmem>>, vector<1000x144xf32>,
    return
  }
  func.func @transform_0(%arg0: i32) -> (i32, i32) {
    %c0_i32 = arith.constant 0 : i32
    %c0_i32_0 = arith.constant 0 : i32
    return %arg0, %c0_i32 : i32, i32
  }
  func.func @transform_1(%arg0: i32) -> (i32, i32) {
    %c0_i32 = arith.constant 0 : i32
    %c0_i32_0 = arith.constant 0 : i32
    return %arg0, %c0_i32 : i32, i32
  }
}

module attributes {stable_mosaic.version = 14 : i64} {
  func.func @_combine_body(%arg0: i32, %arg1: memref<2x640x144xf32, #tpu.memory_space<vmem>>, %arg2: memref<640x144xf32, #tpu.memory_space<vmem>>) attributes {dimension_semantics = [#tpu.dimension_semantics<arbitrary>], iteration_bounds = array<i64: 8>, scalar_prefetch = 0 : i64, scratch_operands = 0 : i64, tpu.core_type = #tpu.core_type<tc>, window_params = [{transform_indices = @transform_0, window_bounds = array<i64: 2, 640, 144>}, {transform_indices = @transform_1, window_bounds = array<i64: 640, 144>}]} {
    %get3A = arith.constant 0 : index
    %get3A_0 = arith.constant 0 : index
    %get3A_1 = arith.constant 0 : index
    %get3A_2 = vector.load %arg1[%get3A, %get3A_0, %get3A_1] : memref<2x640x144xf32, #tpu.memory_space<vmem>>, vector<2x640x144xf32>
    %slice3A = vector.extract_strided_slice %get3A_2 {offsets = [0, 0, 0], sizes = [1, 640, 144], strides = [1, 1, 1]} : vector<2x640x144xf32> to vector<1x640x144xf32>
    %squeeze3A = vector.shape_cast %slice3A : vector<1x640x144xf32> to vector<640x144xf32>
    %slice3A_3 = vector.extract_strided_slice %get3A_2 {offsets = [1, 0, 0], sizes = [1, 640, 144], strides = [1, 1, 1]} : vector<2x640x144xf32> to vector<1x640x144xf32>
    %squeeze3A_4 = vector.shape_cast %slice3A_3 : vector<1x640x144xf32> to vector<640x144xf32>
    %add3A = arith.addf %squeeze3A, %squeeze3A_4 : vector<640x144xf32>
    %slice3A_5 = vector.extract_strided_slice %add3A {offsets = [0, 128], sizes = [640, 1], strides = [1, 1]} : vector<640x144xf32> to vector<640x1xf32>
    %max3A = arith.constant 1.000000e+00 : f32
    %max3A_6 = vector.broadcast %max3A : f32 to vector<640x1xf32>
    %max3A_7 = arith.maximumf %slice3A_5, %max3A_6 : vector<640x1xf32>
    %div3A = arith.constant 1.000000e+00 : f32
    %div3A_8 = vector.broadcast %div3A : f32 to vector<640x1xf32>
    %div3A_9 = arith.divf %div3A_8, %max3A_7 : vector<640x1xf32>
    %iota3A = tpu.iota {dimensions = array<i32: 1>} : vector<640x144xi32>
    %mul3A = vector.broadcast %div3A_9 : vector<640x1xf32> to vector<640x144xf32>
    %mul3A_10 = arith.mulf %add3A, %mul3A : vector<640x144xf32>
    %eq3A = arith.constant 128 : i32
    %eq3A_11 = vector.broadcast %eq3A : i32 to vector<640x144xi32>
    %eq3A_12 = arith.cmpi eq, %iota3A, %eq3A_11 : vector<640x144xi32>
    %gt3A = arith.constant 128 : i32
    %gt3A_13 = vector.broadcast %gt3A : i32 to vector<640x144xi32>
    %gt3A_14 = arith.cmpi sgt, %iota3A, %gt3A_13 : vector<640x144xi32>
    %jit3A = arith.constant 0.000000e+00 : f32
    %broadcast_in_dim3A = vector.broadcast %jit3A : f32 to vector<640x144xf32>
    %select_n3A = arith.select %gt3A_14, %broadcast_in_dim3A, %mul3A_10 : vector<640x144xi1>, vector<640x144xf32>
    %jit3A_15 = arith.constant 1.000000e+00 : f32
    %broadcast_in_dim3A_16 = vector.broadcast %jit3A_15 : f32 to vector<640x144xf32>
    %select_n3A_17 = arith.select %eq3A_12, %broadcast_in_dim3A_16, %select_n3A : vector<640x144xi1>, vector<640x144xf32>
    %swap3A = arith.constant 0 : index
    %swap3A_18 = arith.constant 0 : index
    %swap3A_19 = vector.load %arg2[%swap3A, %swap3A_18] : memref<640x144xf32, #tpu.memory_space<vmem>>, vector<640x144xf32>
    tpu.vector_store %arg2[%swap3A, %swap3A_18], %select_n3A_17 {strides = array<i32>} : memref<640x144xf32, #tpu.memory_space<vmem>>, vector<640x144xf32>,
    return
  }
  func.func @transform_0(%arg0: i32) -> (i32, i32, i32) {
    %c0_i32 = arith.constant 0 : i32
    %c0_i32_0 = arith.constant 0 : i32
    %c0_i32_1 = arith.constant 0 : i32
    return %c0_i32, %arg0, %c0_i32_0 : i32, i32, i32
  }
  func.func @transform_1(%arg0: i32) -> (i32, i32) {
    %c0_i32 = arith.constant 0 : i32
    %c0_i32_0 = arith.constant 0 : i32
    return %arg0, %c0_i32 : i32, i32
  }
}

module attributes {stable_mosaic.version = 14 : i64} {
  func.func @_final_body(%arg0: i32, %arg1: memref<2x1000x144xf32, #tpu.memory_space<vmem>>, %arg2: memref<1000x144xf32, #tpu.memory_space<vmem>>, %arg3: memref<128x128xf32, #tpu.memory_space<vmem>>, %arg4: memref<1x128xf32, #tpu.memory_space<vmem>>, %arg5: memref<1000x128xf32, #tpu.memory_space<vmem>>) attributes {dimension_semantics = [#tpu.dimension_semantics<arbitrary>], iteration_bounds = array<i64: 10>, scalar_prefetch = 0 : i64, scratch_operands = 0 : i64, tpu.core_type = #tpu.core_type<tc>, window_params = [{transform_indices = @transform_0, window_bounds = array<i64: 2, 1000, 144>}, {transform_indices = @transform_1, window_bounds = array<i64: 1000, 144>}, {pipeline_mode = #tpu.pipeline_mode<synchronous>, transform_indices = @transform_2, window_bounds = array<i64: 128, 128>}, {pipeline_mode = #tpu.pipeline_mode<synchronous>, transform_indices = @transform_3, window_bounds = array<i64: 1, 128>}, {transform_indices = @transform_4, window_bounds = array<i64: 1000, 128>}]} {
    %get3A = arith.constant 0 : index
    %get3A_0 = arith.constant 0 : index
    %get3A_1 = arith.constant 0 : index
    %get3A_2 = vector.load %arg1[%get3A, %get3A_0, %get3A_1] : memref<2x1000x144xf32, #tpu.memory_space<vmem>>, vector<2x1000x144xf32>
    %slice3A = vector.extract_strided_slice %get3A_2 {offsets = [0, 0, 0], sizes = [1, 1000, 144], strides = [1, 1, 1]} : vector<2x1000x144xf32> to vector<1x1000x144xf32>
    %squeeze3A = vector.shape_cast %slice3A : vector<1x1000x144xf32> to vector<1000x144xf32>
    %slice3A_3 = vector.extract_strided_slice %get3A_2 {offsets = [1, 0, 0], sizes = [1, 1000, 144], strides = [1, 1, 1]} : vector<2x1000x144xf32> to vector<1x1000x144xf32>
    %squeeze3A_4 = vector.shape_cast %slice3A_3 : vector<1x1000x144xf32> to vector<1000x144xf32>
    %add3A = arith.addf %squeeze3A, %squeeze3A_4 : vector<1000x144xf32>
    %slice3A_5 = vector.extract_strided_slice %add3A {offsets = [0, 128], sizes = [1000, 1], strides = [1, 1]} : vector<1000x144xf32> to vector<1000x1xf32>
    %slice3A_6 = vector.extract_strided_slice %add3A {offsets = [0, 0], sizes = [1000, 128], strides = [1, 1]} : vector<1000x144xf32> to vector<1000x128xf32>
    %max3A = arith.constant 1.000000e+00 : f32
    %max3A_7 = vector.broadcast %max3A : f32 to vector<1000x1xf32>
    %max3A_8 = arith.maximumf %slice3A_5, %max3A_7 : vector<1000x1xf32>
    %div3A = vector.broadcast %max3A_8 : vector<1000x1xf32> to vector<1000x128xf32>
    %div3A_9 = arith.divf %slice3A_6, %div3A : vector<1000x128xf32>
    %get3A_10 = arith.constant 0 : index
    %get3A_11 = arith.constant 0 : index
    %get3A_12 = vector.load %arg3[%get3A_10, %get3A_11] : memref<128x128xf32, #tpu.memory_space<vmem>>, vector<128x128xf32>
    %dot_general3A = arith.constant dense<0.000000e+00> : vector<1000x128xf32>
    %dot_general3A_13 = tpu.matmul %div3A_9, %get3A_12, %dot_general3A {dimension_numbers = #tpu.dot_dimension_numbers<[1], [0], [0], [1], [0, 0, 1, 1], [], []>, transpose_lhs_hint = false} : vector<1000x128xf32>, vector<128x128xf32>, vector<1000x128xf32> -> vector<1000x128xf32>
    %get3A_14 = arith.constant 0 : index
    %get3A_15 = arith.constant 0 : index
    %get3A_16 = vector.load %arg4[%get3A_14, %get3A_15] : memref<1x128xf32, #tpu.memory_space<vmem>>, vector<1x128xf32>
    %add3A_17 = vector.broadcast %get3A_16 : vector<1x128xf32> to vector<1000x128xf32>
    %add3A_18 = arith.addf %dot_general3A_13, %add3A_17 : vector<1000x128xf32>
    %get3A_19 = arith.constant 0 : index
    %get3A_20 = arith.constant 0 : index
    %get3A_21 = vector.load %arg2[%get3A_19, %get3A_20] : memref<1000x144xf32, #tpu.memory_space<vmem>>, vector<1000x144xf32>
    %slice3A_22 = vector.extract_strided_slice %get3A_21 {offsets = [0, 0], sizes = [1000, 128], strides = [1, 1]} : vector<1000x144xf32> to vector<1000x128xf32>
    %max3A_23 = arith.constant 9.99999996E-13 : f32
    %max3A_24 = vector.broadcast %max3A_23 : f32 to vector<1000x128xf32>
    %max3A_25 = arith.maximumf %slice3A_22, %max3A_24 : vector<1000x128xf32>
    %mul3A = arith.mulf %max3A_25, %add3A_18 : vector<1000x128xf32>
    %reduce_sum3A = arith.constant dense<0.000000e+00> : vector<1000xf32>
    %reduce_sum3A_26 = vector.multi_reduction <add>, %mul3A, %reduce_sum3A [1] : vector<1000x128xf32> to vector<1000xf32>
    %broadcast_in_dim3A = vector.shape_cast %reduce_sum3A_26 : vector<1000xf32> to vector<1000x1xf32>
    %div3A_27 = arith.constant 1.280000e+02 : f32
    %div3A_28 = vector.broadcast %div3A_27 : f32 to vector<1000x1xf32>
    %div3A_29 = arith.divf %broadcast_in_dim3A, %div3A_28 : vector<1000x1xf32>
    %sub3A = vector.broadcast %div3A_29 : vector<1000x1xf32> to vector<1000x128xf32>
    %sub3A_30 = arith.subf %mul3A, %sub3A : vector<1000x128xf32>
    %swap3A = arith.constant 0 : index
    %swap3A_31 = arith.constant 0 : index
    %swap3A_32 = vector.load %arg5[%swap3A, %swap3A_31] : memref<1000x128xf32, #tpu.memory_space<vmem>>, vector<1000x128xf32>
    tpu.vector_store %arg5[%swap3A, %swap3A_31], %sub3A_30 {strides = array<i32>} : memref<1000x128xf32, #tpu.memory_space<vmem>>, vector<1000x128xf32>,
    return
  }
  func.func @transform_0(%arg0: i32) -> (i32, i32, i32) {
    %c0_i32 = arith.constant 0 : i32
    %c0_i32_0 = arith.constant 0 : i32
    %c0_i32_1 = arith.constant 0 : i32
    return %c0_i32, %arg0, %c0_i32_0 : i32, i32, i32
  }
  func.func @transform_1(%arg0: i32) -> (i32, i32) {
    %c0_i32 = arith.constant 0 : i32
    %c0_i32_0 = arith.constant 0 : i32
    return %arg0, %c0_i32 : i32, i32
  }
  func.func @transform_2(%arg0: i32) -> (i32, i32) {
    %c0_i32 = arith.constant 0 : i32
    %c0_i32_0 = arith.constant 0 : i32
    %c0_i32_1 = arith.constant 0 : i32
    return %c0_i32, %c0_i32_0 : i32, i32
  }
  func.func @transform_3(%arg0: i32) -> (i32, i32) {
    %c0_i32 = arith.constant 0 : i32
    %c0_i32_0 = arith.constant 0 : i32
    %c0_i32_1 = arith.constant 0 : i32
    return %c0_i32, %c0_i32_0 : i32, i32
  }
  func.func @transform_4(%arg0: i32) -> (i32, i32) {
    %c0_i32 = arith.constant 0 : i32
    %c0_i32_0 = arith.constant 0 : i32
    return %arg0, %c0_i32 : i32, i32
  }
}

</mosaic_0001>

<sc_bundles>
// kernel: kernel.10.cloned.1.call-start
scs
__scs_entry_jumppad:
0x0: {  	(pc) =	sbr.rel $0x88, $3  }
0x1: {  	(tag) =	ssettag $0x0;
	lr =	simm.s32 $0x1  }
0x2: {  	[smem:$0x3F9D] =	sst lr;
	_ =	strace $0xD0000000  }
0x3: {  	_ = 	snop  }
0x4: {  	_ = 	snop  }
0x5: {  	_ = 	snop  }
0x6: {  	_ = 	snop  }
0x7: {  	_ = 	snop  }
__scs_overlays_trampoline_lowered:
0x8: {  	[smem:$0x3FAC] =	sst s0  }
0x9: {  	[smem:$0x3FAD] =	sst s1  }
0xa: {  	[smem:$0x3FAE] =	sst s2  }
0xb: {  	[smem:$0x3FAF] =	sst s3  }
0xc: {  	[smem:$0x3FB0] =	sst s4  }
0xd: {  	[smem:$0x3FB1] =	sst s5  }
0xe: {  	[smem:$0x3FB2] =	sst s6  }
0xf: {  	[smem:$0x3FB3] =	sst s7  }
0x10: {  	[smem:$0x3FB4] =	sst s8  }
0x11: {  	[smem:$0x3FB5] =	sst s9;
	s0 =	simm.s32 @!p0 $0x0  }
0x12: {  	s1 =	sld [smem:$0x3F9B];
	s0 =	simm.s32 @p0 $0x1  }
0x13: {  	[smem:$0x3FB6] =	sst s0;
	s0 =	simm.s32 @!p1 $0x0  }
0x14: {  	s2 =	sld [smem:$0x3F9A];
	s0 =	simm.s32 @p1 $0x1  }
0x15: {  	[smem:$0x3FB7] =	sst s0;
	s0 =	simm.s32 @!p2 $0x0  }
0x16: {  	s3 =	sld [smem:$0x3FDB];
	s0 =	simm.s32 @p2 $0x1  }
0x17: {  	s4 =	simm.s32 $0x1BF5;
	[smem:$0x3FB9] =	sst s0  }
0x18: {  	s0 =	sld [smem:$0x3F9C];
	_ =	swait.ge [sflag:s4], $0x0  }
0x19: {  	s7 =	sld [smem:$0x3F9D]  }
0x1a: {  	s8 =	sadd.s32 $0xFFFFE003, lr  }
0x1b: {  	s9 =	sadd.s32 $0xFFFFFEF7, lr;
	s5 =	simm.s32 $0xFFFFFFFF;
	p2 =	slt.u32 s8, $0xFFFFF086  }
0x1c: {  	p1 =	slt.u32 s9, $0xF7A;
	s5 =	simm.s32 @!p2 $0x0  }
0x1d: {  	s5 =	simm.s32 @p1 $0x1;
	p0 =	seq.s32 s7, s2  }
0x1e: {  	s7 =	smul.u32 @!p0 $0xF7A, s2;
	p2 =	seq.s32 @!p0 s5, $0x0  }
0x1f: {  	s9 =	smul.u32 $0xF7A, s1;
	s8 =	simm.s32 @!p0 $0x1BF5;
	p2 =	por !p2, p0  }
0x20: {  	[sflag:s8] =	ssyncset.s32 @!p0 $0xFFFFF086;
	s6 =	sadd.s32 @!p0 s3, s7;
	s7 =	simm.s32 @!p0 $0x108  }
0x21: {  	s3 =	sadd.s32 s3, s9;
	s6 =	sadd.s32 @!p0 $0x88, s6;
	s7 =	simm.s32 @p2 $0x1082  }
0x22: {  	[simem:s7], [sflag:s8] =	dma.local @!p0 [hbm:s6], $0xF7A  }
0x23: {  	s9 =	sor.u32 $0xD0000000, s2;
	s6 =	simm.s32 $0x108;
	_ =	swait.ge @!p0 [sflag:s8], $0x0  }
0x24: {  	s3 =	sadd.s32 $0x88, s3;
	s6 =	simm.s32 @!p1 $0x1082;
	[sflag:s4] =	ssyncset.s32 $0xFFFFF086  }
0x25: {  	[simem:s6], [sflag:s4] =	dma.local [hbm:s3], $0xF7A  }
0x26: {  	[smem:$0x3F9D] =	sst s1;
	(tag) =	ssettag s2;
	_ =	strace s9  }
0x27: {  	s1 =	sld [smem:$0x3FAD]  }
0x28: {  	s2 =	sld [smem:$0x3FAE]  }
0x29: {  	s4 =	sld [smem:$0x3FB0]  }
0x2a: {  	p0 =	seq.s32 s5, $0x0;
	s5 =	sld [smem:$0x3FB1]  }
0x2b: {  	s6 =	sld [smem:$0x3FB2]  }
0x2c: {  	s7 =	sld [smem:$0x3FB3]  }
0x2d: {  	s3 =	simm.s32 $0x108;
	s8 =	sld [smem:$0x3FB4]  }
0x2e: {  	s3 =	simm.s32 @!p0 $0x1082;
	s9 =	sld [smem:$0x3FB5]  }
0x2f: {  	lr =	sadd.s32 s0, s3;
	s0 =	sld [smem:$0x3FAC]  }
0x30: {  	s3 =	sld [smem:$0x3FAF]  }
0x31: {  	[smem:$0x3FB8] =	sst s10  }
0x32: {  	s10 =	sld [smem:$0x3FB6];
	_ =	sdelay $0x3  }
0x33: {  	p0 =	seq.s32 s10, $0x1;
	s10 =	sld [smem:$0x3FB8];
	_ =	sdelay $0x3  }
0x34: {  	[smem:$0x3FB8] =	sst s10  }
0x35: {  	s10 =	sld [smem:$0x3FB7];
	_ =	sdelay $0x3  }
0x36: {  	p1 =	seq.s32 s10, $0x1;
	s10 =	sld [smem:$0x3FB8];
	_ =	sdelay $0x3  }
0x37: {  	[smem:$0x3FB8] =	sst s10  }
0x38: {  	s10 =	sld [smem:$0x3FB9]  }
0x39: {  	_ = 	snop;
	(pc) =	sbr.ind lr, $3  }
0x3a: {  	_ = 	snop  }
0x3b: {  	_ = 	snop  }
0x3c: {  	p2 =	seq.s32 s10, $0x1;
	s10 =	sld [smem:$0x3FB8]  }
0x3d: {  	_ =	shalt  }
0x3e: {  	_ =	shalt  }
0x3f: {  	_ =	shalt  }
0x40: {  	_ =	shalt  }
0x41: {  	_ =	shalt  }
0x42: {  	_ =	shalt  }
0x43: {  	_ =	shalt  }
0x44: {  	_ =	shalt  }
0x45: {  	_ =	shalt  }
0x46: {  	_ =	shalt  }
0x47: {  	_ =	shalt  }
0x48: {  	_ =	shalt  }
0x49: {  	_ =	shalt  }
0x4a: {  	_ =	shalt  }
0x4b: {  	_ =	shalt  }
0x4c: {  	_ =	shalt  }
0x4d: {  	_ =	shalt  }
0x4e: {  	_ =	shalt  }
0x4f: {  	_ =	shalt  }
0x50: {  	_ =	shalt  }
0x51: {  	_ =	shalt  }
0x52: {  	_ =	shalt  }
0x53: {  	_ =	shalt  }
0x54: {  	_ =	shalt  }
0x55: {  	_ =	shalt  }
0x56: {  	_ =	shalt  }
0x57: {  	_ =	shalt  }
0x58: {  	_ =	shalt  }
0x59: {  	_ =	shalt  }
0x5a: {  	_ =	shalt  }
0x5b: {  	_ =	shalt  }
0x5c: {  	_ =	shalt  }
0x5d: {  	_ =	shalt  }
0x5e: {  	_ =	shalt  }
0x5f: {  	_ =	shalt  }
0x60: {  	_ =	shalt  }
0x61: {  	_ =	shalt  }
0x62: {  	_ =	shalt  }
0x63: {  	_ =	shalt  }
0x64: {  	_ =	shalt  }
0x65: {  	_ =	shalt  }
0x66: {  	_ =	shalt  }
0x67: {  	_ =	shalt  }
0x68: {  	_ =	shalt  }
0x69: {  	_ =	shalt  }
0x6a: {  	_ =	shalt  }
0x6b: {  	_ =	shalt  }
0x6c: {  	_ =	shalt  }
0x6d: {  	_ =	shalt  }
0x6e: {  	_ =	shalt  }
0x6f: {  	_ =	shalt  }
0x70: {  	_ =	shalt  }
0x71: {  	_ =	shalt  }
0x72: {  	_ =	shalt  }
0x73: {  	_ =	shalt  }
0x74: {  	_ =	shalt  }
0x75: {  	_ =	shalt  }
0x76: {  	_ =	shalt  }
0x77: {  	_ =	shalt  }
0x78: {  	_ =	shalt  }
0x79: {  	_ =	shalt  }
0x7a: {  	_ =	shalt  }
0x7b: {  	_ =	shalt  }
0x7c: {  	_ =	shalt  }
0x7d: {  	_ =	shalt  }
0x7e: {  	_ =	shalt  }
0x7f: {  	_ =	shalt  }
0x80: {  	_ =	shalt  }
0x81: {  	_ =	shalt  }
0x82: {  	_ =	shalt  }
0x83: {  	_ =	shalt  }
0x84: {  	_ =	shalt  }
0x85: {  	_ =	shalt  }
0x86: {  	_ =	shalt  }
0x87: {  	_ =	shalt  }
.Lfunc_end0:
.L_simem_size_0:
called_computation.1_lowered:
.L_overlay_start_0:
0x88: {  	s2 =	sld [smem:$0x3FD9]  }
0x89: {  	s3 =	sld [smem:$0x3FFE];
	_ =	sdelay $0x1  }
0x8a: {  	s1 =	srdreg.scid  }
0x8b: {  	s0 =	sand.u32 $0x1, s1  }
0x8c: {  	s17 =	sshll.u32 s0, $0xA;
	s2 =	sadd.s32 s3, s2  }
0x8d: {  	s2 =	sadd.s32 s2, s17  }
0x8e: {  	[smem:$0x3FC4] =	sst s2  }
0x8f: {  	_ = 	snop  }
0x90: {  	s2 =	sld [smem:$0x3FD0];
	(tm) =	ssettm $0x1  }
0x91: {  	s18 =	sld [smem:$0x3FFB];
	_ =	sdelay $0x3  }
0x92: {  	_ =	strace s18  }
0x93: {  	s3 =	sld [smem:$0x3FFC];
	_ =	sdelay $0x3  }
0x94: {  	_ =	strace s3  }
0x95: {  	s3 =	sld [smem:$0x3FFD];
	_ =	sdelay $0x3  }
0x96: {  	_ =	strace s3  }
0x97: {  	_ =	strace $0x8FFFFFFF  }
0x98: {  	s19 =	sld [smem:$0x3FDB];
	_ =	sdelay $0x1  }
0x99: {  	s4 =	simm.s32 $_scs_section_size  }
0x9a: {  	s5 =	simm.s32 $_size__tile_overlayer_lowered;
	s6 =	simm.s32 $_tile_overlayer_lowered  }
0x9b: {  	s22 =	simm.s32 $0x1BFF;
	s21 =	sshll.u32 s6, $0x1;
	s3 =	sadd.s32 s4, s19  }
0x9c: {  	s7 =	simm.s32 $0x0;
	s20 =	sshll.u32 s5, $0x1;
	s5 =	sadd.s32 s21, s3  }
0x9d: {  	[timem:s7], [sflag:s22] =	dma.local [hbm:s5], s20  }
0x9e: {  	_ =	swait.ge [sflag:s22], s20  }
0x9f: {  	s4 =	ssub.s32 $0x0, s20;
	[sflag:s22] =	ssyncset.done $0x0  }
0xa0: {  	[sflag:s22] =	ssyncadd.s32 s4;
	_ =	sdelay $0x1  }
0xa1: {  	s23 =	simm.s32 $0x1B8B  }
0xa2: {  	_ =	swait.ge [sflag:s23], $0x1  }
0xa3: {  	[sflag:s23] =	ssyncset.done $0x0  }
0xa4: {  	s25 =	simm.s32 $0x1B8E;
	s24 =	sld [smem:$0x3FFE];
	[sflag:s23] =	ssyncadd.s32 $0xFFFFFFFF  }
0xa5: {  	s26 =	simm.s32 $execute0_lowered;
	[smem:$0x3FD2] =	sst s25  }
0xa6: {  	s5 =	sshll.u32 s26, $0x1;
	_ =	strace $0x80000049;
	[dreg:$0x1] =	wrdreg $0xFFFFFFFF  }
0xa7: {  	s28 =	simm.s32 $_size_execute0_lowered;
	s3 =	sadd.s32 s3, s5;
	[dreg:$0x0] =	wrdreg $0x0  }
0xa8: {  	s5 =	sshll.u32 s28, $0x1;
	[dreg:$0x2] =	wrdreg s3  }
0xa9: {  	[dreg:$0x3] =	wrdreg s5  }
0xaa: {  	[dreg:$0x4] =	wrdreg $0xC0  }
0xab: {  	_ =	task [dreg:s7], $0x5FFFF  }
0xac: {  	[dreg:$0x1] =	wrdreg $0xFFFFFFFF  }
0xad: {  	[dreg:$0x0] =	wrdreg $0x60  }
0xae: {  	[dreg:$0x2] =	wrdreg s2  }
0xaf: {  	[dreg:$0x3] =	wrdreg s24  }
0xb0: {  	[dreg:$0x4] =	wrdreg $0x8EA00  }
0xb1: {  	[dreg:$0x5] =	wrdreg $0x9  }
0xb2: {  	_ =	task.clear_ibuf [dreg:s7], $0x6FFFF;
	_ =	strace $0x90000049  }
0xb3: {  	s29 =	simm.s32 $0x9;
	_ =	strace $0x8000004B  }
0xb4: {  	_ =	swait.ge [sflag:s29], $0x1  }
0xb5: {  	[sflag:s29] =	ssyncadd.s32 $0xFFFFFFFF  }
0xb6: {  	_ =	strace $0x9000004B  }
0xb7: {  	_ =	sfence  }
0xb8: {  	s30 =	sld [smem:$0x0];
	_ =	sdelay $0x2  }
0xb9: {  	s31 =	sshll.u32 s1, $0xD;
	s1 =	sshrl.u32 s1, $0x2  }
0xba: {  	s3 =	sand.u32 $0x4000, s31;
	s1 =	sadd.s32 s1, s30  }
0xbb: {  	s0 =	sor.u32 s3, s0;
	s1 =	sshll.u32 s1, $0x11  }
0xbc: {  	s0 =	sor.u32 s1, s0  }
0xbd: {  	s0 =	sadd.s32 $0x8F2B, s0  }
0xbe: {  	[sflag:s0] =	ssyncadd.remote.s32 $0x1  }
0xbf: {  	_ =	sfence.sel $0xFFFF  }
0xc0: {  	[dreg:$0x0] =	wrdreg $0xFFFFFFFF;
	(pc) =	sbr.abs _section_cstart, $3  }
0xc1: {  	[dreg:$0x1] =	wrdreg $0xFFFFFFFF  }
0xc2: {  	_ =	task.clear_ibuf [dreg:s7], $0x2FFFF;
	_ =	strace $0x9FFFFFFF  }
0xc3: {  	(tm) =	ssettm $0x7FFFFFFF  }
tec
execute0_lowered:
.L_overlay_start_1:
0x0: {  	(tag) =	ssettag $0x1  }
0x1: {  	s0 =	rddreg [dreg:$0x0]  }
0x2: {  	s2 =	rddreg [dreg:$0x1]  }
0x3: {  	s1 =	simm.s32 $0x0;
	s4 =	srdreg.scid;
	s15 =	stileid.u32  }
0x4: {  	s28 =	simm.s32 $0x200;
	s29 =	simm.s32 $0x5;
	s30 =	simm.s32 $0x100  }
0x5: {  	s31 =	simm.s32 $0x1;
	[smem:$0x7FF] =	sst s1;
	s8 =	smul.u32 $0x16800, s15  }
0x6: {  	s3 =	sadd.s32 $0xC00, s2;
	s4 =	sand.u32 $0x1, s4;
	s16 =	smul.u32 $0x5000, s15  }
0x7: {  	s5 =	sadd.s32 $0xAC00, s2;
	s7 =	sshll.u32 s15, $0x1;
	s11 =	smul.u32 $0x168000, s4  }
0x8: {  	s6 =	ssub.s32 $0x2, s4;
	s7 =	sor.u32 s4, s7;
	s4 =	smul.u32 $0x2800, s4  }
0x9: {  	s9 =	sadd.s32 $0x41600, s2;
	s10 =	sshrl.u32 s6, $0x1;
	s7 =	smul.u32 $0x2800, s7  }
0xa: {  	s14 =	sadd.s32 $0x8700, s8;
	s23 =	sadd.s32 $0xCA80, s8;
	s24 =	sadd.s32 $0x10E00, s8  }
0xb: {  	s25 =	sadd.s32 $0x15180, s8;
	s6 =	ssub.s32 s6, s10;
	s10 =	sadd.s32 $0x4380, s8  }
0xc: {  	s13 =	sadd.s32 s8, s11;
	s17 =	sadd.s32 s11, s23;
	s20 =	sadd.s32 s11, s24  }
0xd: {  	s4 =	sadd.s32 s4, s16;
	s16 =	rddreg [dreg:$0x2];
	s7 =	sshrl.u32 s7, $0x3  }
0xe: {  	s26 =	sshrl.u32 s13, $0x3;
	s13 =	sadd.s32 s11, s14;
	s12 =	sadd.s32 s3, s7  }
0xf: {  	s21 =	sor.u32 $0x10, s7;
	s7 =	sadd.s32 s5, s7;
	[dreg:$0x4] =	wrdreg s12  }
0x10: {  	s19 =	sshrl.u32 s17, $0x3;
	[dreg:$0x5] =	wrdreg s7;
	s22 =	sadd.s32 s3, s21  }
0x11: {  	s23 =	sadd.s32 s23, s16;
	s12 =	sadd.s32 s5, s21;
	[dreg:$0x6] =	wrdreg s22  }
0x12: {  	s24 =	sadd.s32 s24, s16;
	s7 =	sadd.s32 s9, s26;
	[dreg:$0x7] =	wrdreg s12  }
0x13: {  	s21 =	sadd.s32 s11, s25;
	s25 =	sadd.s32 s25, s16;
	[dreg:$0x8] =	wrdreg s7  }
0x14: {  	s12 =	sadd.s32 s11, s10;
	s22 =	sshrl.u32 s21, $0x3;
	s21 =	sadd.s32 s10, s16  }
0x15: {  	s7 =	sshrl.u32 s12, $0x3;
	s12 =	sshrl.u32 s13, $0x3;
	s13 =	sor.u32 $0x180, s4  }
0x16: {  	s4 =	sor.u32 $0x100, s4;
	s7 =	sadd.s32 s9, s7;
	s18 =	sadd.s32 s9, s12  }
0x17: {  	s26 =	sshrl.u32 s13, $0x3;
	s12 =	sadd.s32 s9, s22;
	s4 =	sshrl.u32 s4, $0x3  }
0x18: {  	s22 =	sadd.s32 s14, s16;
	s14 =	simm.s32 $0x7D;
	[dreg:$0x9] =	wrdreg s7  }
0x19: {  	[dreg:$0xa] =	wrdreg s18;
	s7 =	sadd.s32 s9, s19;
	s13 =	sadd.s32 s26, s5  }
0x1a: {  	s15 =	sadd.s32 s26, s3;
	s17 =	sadd.s32 s4, s5;
	s18 =	sadd.s32 s4, s3  }
0x1b: {  	s19 =	sadd.s32 $0x40C00, s2;
	s26 =	smax.u32 s6, $0x1;
	s2 =	simm.s32 $0x80  }
0x1c: {  	s3 =	simm.s32 $0x180;
	[dreg:$0xb] =	wrdreg s7;
	s7 =	sshrl.u32 s20, $0x3  }
0x1d: {  	s4 =	simm.s32 $0x3;
	s5 =	simm.s32 $0x2;
	s7 =	sadd.s32 s9, s7  }
0x1e: {  	s6 =	simm.s32 $0x4850;
	s20 =	sadd.s32 s8, s16;
	[dreg:$0xc] =	wrdreg s7  }
0x1f: {  	s8 =	simm.s32 $0x0;
	s7 =	simm.s32 $0x4;
	_ =	strace $0x8000004A  }
.LBB2_1:
0x20: {  	[tilespmem:s28], [sflag:$0x5] =	stream.linear.gather [hbm4b:s19+s1], $0x4650, $0x38;
	[tilespmem:$0x1F6A0] =	vst v63  }
0x21: {  	_ =	swait.ge [sflag:s29], $0x4650  }
0x22: {  	[sflag:s29] =	ssyncset.done $0x0  }
0x23: {  	[sflag:s29] =	ssyncadd.s32 $0xFFFFB9B0  }
0x24: {  	[spmem:s20] =	stream.linear.scatter [tilespmem:s28], [sflag:$0x5], $0x4380, $0x38;
	[tilespmem:$0x1F6A0] =	vst v63  }
0x25: {  	_ =	swait.ge [sflag:s29], $0x4380  }
0x26: {  	[sflag:s29] =	ssyncset.done $0x0  }
0x27: {  	[sflag:s29] =	ssyncadd.s32 $0xFFFFBC80  }
0x28: {  	[spmem:s21] =	stream.linear.scatter [tilespmem:s28], [sflag:$0x5], $0x4380, $0x38;
	[tilespmem:$0x1F6A0] =	vst v63  }
0x29: {  	_ =	swait.ge [sflag:s29], $0x4380  }
0x2a: {  	[sflag:s29] =	ssyncset.done $0x0  }
0x2b: {  	[sflag:s29] =	ssyncadd.s32 $0xFFFFBC80  }
0x2c: {  	[spmem:s22] =	stream.linear.scatter [tilespmem:s28], [sflag:$0x5], $0x4380, $0x38;
	[tilespmem:$0x1F6A0] =	vst v63  }
0x2d: {  	_ =	swait.ge [sflag:s29], $0x4380  }
0x2e: {  	[sflag:s29] =	ssyncset.done $0x0  }
0x2f: {  	[sflag:s29] =	ssyncadd.s32 $0xFFFFBC80  }
0x30: {  	[spmem:s23] =	stream.linear.scatter [tilespmem:s28], [sflag:$0x5], $0x4380, $0x38;
	[tilespmem:$0x1F6A0] =	vst v63  }
0x31: {  	_ =	swait.ge [sflag:s29], $0x4380  }
0x32: {  	[sflag:s29] =	ssyncset.done $0x0  }
0x33: {  	[sflag:s29] =	ssyncadd.s32 $0xFFFFBC80  }
0x34: {  	[spmem:s24] =	stream.linear.scatter [tilespmem:s28], [sflag:$0x5], $0x4380, $0x38;
	[tilespmem:$0x1F6A0] =	vst v63  }
0x35: {  	_ =	swait.ge [sflag:s29], $0x4380  }
0x36: {  	[sflag:s29] =	ssyncset.done $0x0  }
0x37: {  	[sflag:s29] =	ssyncadd.s32 $0xFFFFBC80  }
0x38: {  	[spmem:s25] =	stream.linear.scatter [tilespmem:s28], [sflag:$0x5], $0x1680, $0x38;
	[tilespmem:$0x1F6A0] =	vst v63  }
0x39: {  	_ =	swait.ge [sflag:s29], $0x1680  }
0x3a: {  	[sflag:s29] =	ssyncset.done $0x0  }
0x3b: {  	[sflag:s29] =	ssyncadd.s32 $0xFFFFE980  }
0x3c: {  	[bflag:$0x0] =	sbarrier.arrive $0xFFFF  }
0x3d: {  	s9 =	rddreg [dreg:$0x4]  }
0x3e: {  	[tilespmem:s1], [sflag:$0x1] =	stream.linear.gather [hbm4b:s9+s1], $0x80, $0x38;
	[tilespmem:$0x1F6A0] =	vst v63  }
0x3f: {  	s10 =	rddreg [dreg:$0x5]  }
0x40: {  	[tilespmem:s30], [sflag:$0x1] =	stream.linear.gather [hbm4b:s10+s1], $0x80, $0x38;
	[tilespmem:$0x1F6A0] =	vst v63  }
0x41: {  	_ =	swait.ge [sflag:s31], $0x80  }
0x42: {  	[sflag:s31] =	ssyncset.done $0x0  }
0x43: {  	[sflag:s31] =	ssyncadd.s32 $0xFFFFFF80  }
0x44: {  	_ =	swait.ge [sflag:s31], $0x80  }
0x45: {  	[sflag:s31] =	ssyncset.done $0x0  }
0x46: {  	[sflag:s31] =	ssyncadd.s32 $0xFFFFFF80  }
0x47: {  	[tilespmem:s28], [sflag:$0x3] =	stream.indirect.gather [hbm4b:s0+s14], $0x90, s1, s14, $0xb8;
	[tilespmem:$0x1F6A0] =	vst v63  }
0x48: {  	s11 =	rddreg [dreg:$0x6]  }
0x49: {  	[tilespmem:s2], [sflag:$0x2] =	stream.linear.gather [hbm4b:s11+s1], $0x80, $0x38;
	[tilespmem:$0x1F6A0] =	vst v63  }
0x4a: {  	s10 =	rddreg [dreg:$0x7]  }
0x4b: {  	[tilespmem:s3], [sflag:$0x2] =	stream.linear.gather [hbm4b:s10+s1], $0x80, $0x38;
	[tilespmem:$0x1F6A0] =	vst v63  }
0x4c: {  	_ =	swait.ge [sflag:s4], $0x4650  }
0x4d: {  	[sflag:s4] =	ssyncset.done $0x0  }
0x4e: {  	[sflag:s4] =	ssyncadd.s32 $0xFFFFB9B0  }
0x4f: {  	_ =	swait.ge [sflag:s5], $0x80  }
0x50: {  	[sflag:s5] =	ssyncset.done $0x0  }
0x51: {  	[sflag:s5] =	ssyncadd.s32 $0xFFFFFF80  }
0x52: {  	_ =	swait.ge [sflag:s5], $0x80  }
0x53: {  	[sflag:s5] =	ssyncset.done $0x0  }
0x54: {  	[sflag:s5] =	ssyncadd.s32 $0xFFFFFF80  }
0x55: {  	[tilespmem:s6], [sflag:$0x4] =	stream.indirect.gather [hbm4b:s0+s14], $0x90, s2, s14, $0xb8;
	[tilespmem:$0x1F6A0] =	vst v63  }
0x56: {  	_ = 	snop  }
0x57: {  	[spmem:s16] =	stream.indirect.scatter.add.f32 [tilespmem:s28], [sflag:$0x5], $0x90, s30, s14, $0xb8;
	[tilespmem:$0x1F6A0] =	vst v63  }
0x58: {  	_ =	swait.ge [sflag:s29], $0x4650  }
0x59: {  	[sflag:s29] =	ssyncset.done $0x0  }
0x5a: {  	s11 =	sadd.s32 $0x0, s18;
	[sflag:s29] =	ssyncadd.s32 $0xFFFFB9B0  }
0x5b: {  	[tilespmem:s1], [sflag:$0x1] =	stream.linear.gather [hbm4b:s11+s1], $0x80, $0x38;
	[tilespmem:$0x1F6A0] =	vst v63  }
0x5c: {  	s10 =	sadd.s32 $0x0, s17  }
0x5d: {  	[tilespmem:s30], [sflag:$0x1] =	stream.linear.gather [hbm4b:s10+s1], $0x80, $0x38;
	[tilespmem:$0x1F6A0] =	vst v63  }
0x5e: {  	_ =	swait.ge [sflag:s7], $0x4650  }
0x5f: {  	[sflag:s7] =	ssyncset.done $0x0  }
0x60: {  	[sflag:s7] =	ssyncadd.s32 $0xFFFFB9B0  }
0x61: {  	_ =	swait.ge [sflag:s31], $0x80  }
0x62: {  	[sflag:s31] =	ssyncset.done $0x0  }
0x63: {  	[sflag:s31] =	ssyncadd.s32 $0xFFFFFF80  }
0x64: {  	_ =	swait.ge [sflag:s31], $0x80  }
0x65: {  	[sflag:s31] =	ssyncset.done $0x0  }
0x66: {  	[sflag:s31] =	ssyncadd.s32 $0xFFFFFF80  }
0x67: {  	[tilespmem:s28], [sflag:$0x3] =	stream.indirect.gather [hbm4b:s0+s14], $0x90, s1, s14, $0xb8;
	[tilespmem:$0x1F6A0] =	vst v63  }
0x68: {  	_ = 	snop  }
0x69: {  	[spmem:s16] =	stream.indirect.scatter.add.f32 [tilespmem:s6], [sflag:$0x5], $0x90, s3, s14, $0xb8;
	[tilespmem:$0x1F6A0] =	vst v63  }
0x6a: {  	_ =	swait.ge [sflag:s29], $0x4650  }
0x6b: {  	s9 =	simm.s32 $0x20;
	[sflag:s29] =	ssyncset.done $0x0  }
0x6c: {  	s11 =	sadd.s32 $0x0, s15;
	s10 =	sadd.s32 $0x0, s13;
	[sflag:s29] =	ssyncadd.s32 $0xFFFFB9B0  }
0x6d: {  	[tilespmem:s2], [sflag:$0x2] =	stream.linear.gather [hbm4b:s11+s1], $0x80, $0x38;
	[tilespmem:$0x1F6A0] =	vst v63  }
.LBB2_2:
0x6e: {  	[tilespmem:s3], [sflag:$0x2] =	stream.linear.gather [hbm4b:s10+s1], $0x80, $0x38;
	[tilespmem:$0x1F6A0] =	vst v63  }
0x6f: {  	s10 =	smov.u32 s9  }
0x70: {  	p0 =	sne.s32 s9, $0x4C0;
	s9 =	sadd.s32 $0x20, s9;
	_ =	swait.ge [sflag:s4], $0x4650  }
0x71: {  	[sflag:s4] =	ssyncset.done $0x0  }
0x72: {  	[sflag:s4] =	ssyncadd.s32 $0xFFFFB9B0  }
0x73: {  	_ =	swait.ge [sflag:s5], $0x80  }
0x74: {  	[sflag:s5] =	ssyncset.done $0x0  }
0x75: {  	[sflag:s5] =	ssyncadd.s32 $0xFFFFFF80  }
0x76: {  	_ =	swait.ge [sflag:s5], $0x80  }
0x77: {  	[sflag:s5] =	ssyncset.done $0x0  }
0x78: {  	[sflag:s5] =	ssyncadd.s32 $0xFFFFFF80  }
0x79: {  	[tilespmem:s6], [sflag:$0x4] =	stream.indirect.gather [hbm4b:s0+s14], $0x90, s2, s14, $0xb8;
	[tilespmem:$0x1F6A0] =	vst v63  }
0x7a: {  	_ = 	snop  }
0x7b: {  	[spmem:s16] =	stream.indirect.scatter.add.f32 [tilespmem:s28], [sflag:$0x5], $0x90, s30, s14, $0xb8;
	[tilespmem:$0x1F6A0] =	vst v63  }
0x7c: {  	_ =	swait.ge [sflag:s29], $0x4650  }
0x7d: {  	[sflag:s29] =	ssyncset.done $0x0  }
0x7e: {  	s11 =	sadd.s32 s10, s18;
	[sflag:s29] =	ssyncadd.s32 $0xFFFFB9B0  }
0x7f: {  	[tilespmem:s1], [sflag:$0x1] =	stream.linear.gather [hbm4b:s11+s1], $0x80, $0x38;
	[tilespmem:$0x1F6A0] =	vst v63  }
0x80: {  	s11 =	sadd.s32 s10, s17  }
0x81: {  	[tilespmem:s30], [sflag:$0x1] =	stream.linear.gather [hbm4b:s11+s1], $0x80, $0x38;
	[tilespmem:$0x1F6A0] =	vst v63  }
0x82: {  	_ =	swait.ge [sflag:s7], $0x4650  }
0x83: {  	[sflag:s7] =	ssyncset.done $0x0  }
0x84: {  	[sflag:s7] =	ssyncadd.s32 $0xFFFFB9B0  }
0x85: {  	_ =	swait.ge [sflag:s31], $0x80  }
0x86: {  	[sflag:s31] =	ssyncset.done $0x0  }
0x87: {  	[sflag:s31] =	ssyncadd.s32 $0xFFFFFF80  }
0x88: {  	_ =	swait.ge [sflag:s31], $0x80  }
0x89: {  	[sflag:s31] =	ssyncset.done $0x0  }
0x8a: {  	[sflag:s31] =	ssyncadd.s32 $0xFFFFFF80  }
0x8b: {  	[tilespmem:s28], [sflag:$0x3] =	stream.indirect.gather [hbm4b:s0+s14], $0x90, s1, s14, $0xb8;
	[tilespmem:$0x1F6A0] =	vst v63  }
0x8c: {  	_ = 	snop  }
0x8d: {  	[spmem:s16] =	stream.indirect.scatter.add.f32 [tilespmem:s6], [sflag:$0x5], $0x90, s3, s14, $0xb8;
	[tilespmem:$0x1F6A0] =	vst v63  }
.Ltmp0:
0x8e: {  	_ =	swait.ge [sflag:s29], $0x4650;
	(pc) =	sbr.rel @p0 .LBB2_2-.Ltmp0, $4  }
0x8f: {  	[sflag:s29] =	ssyncset.done $0x0  }
0x90: {  	s11 =	sadd.s32 s10, s15;
	[sflag:s29] =	ssyncadd.s32 $0xFFFFB9B0  }
0x91: {  	[tilespmem:s2], [sflag:$0x2] =	stream.linear.gather [hbm4b:s11+s1], $0x80, $0x38;
	[tilespmem:$0x1F6A0] =	vst v63  }
0x92: {  	s10 =	sadd.s32 s10, s13  }
0x93: {  	[tilespmem:s3], [sflag:$0x2] =	stream.linear.gather [hbm4b:s10+s1], $0x80, $0x38;
	[tilespmem:$0x1F6A0] =	vst v63  }
0x94: {  	_ =	swait.ge [sflag:s4], $0x4650  }
0x95: {  	[sflag:s4] =	ssyncset.done $0x0  }
0x96: {  	[sflag:s4] =	ssyncadd.s32 $0xFFFFB9B0  }
0x97: {  	_ =	swait.ge [sflag:s5], $0x80  }
0x98: {  	[sflag:s5] =	ssyncset.done $0x0  }
0x99: {  	[sflag:s5] =	ssyncadd.s32 $0xFFFFFF80  }
0x9a: {  	_ =	swait.ge [sflag:s5], $0x80  }
0x9b: {  	[sflag:s5] =	ssyncset.done $0x0  }
0x9c: {  	[sflag:s5] =	ssyncadd.s32 $0xFFFFFF80  }
0x9d: {  	[tilespmem:s6], [sflag:$0x4] =	stream.indirect.gather [hbm4b:s0+s14], $0x90, s2, s14, $0xb8;
	[tilespmem:$0x1F6A0] =	vst v63  }
0x9e: {  	_ = 	snop  }
0x9f: {  	[spmem:s16] =	stream.indirect.scatter.add.f32 [tilespmem:s28], [sflag:$0x5], $0x90, s30, s14, $0xb8;
	[tilespmem:$0x1F6A0] =	vst v63  }
0xa0: {  	_ =	swait.ge [sflag:s29], $0x4650  }
0xa1: {  	[sflag:s29] =	ssyncset.done $0x0  }
0xa2: {  	[sflag:s29] =	ssyncadd.s32 $0xFFFFB9B0  }
0xa3: {  	_ =	swait.ge [sflag:s7], $0x4650  }
0xa4: {  	[sflag:s7] =	ssyncset.done $0x0  }
0xa5: {  	[sflag:s7] =	ssyncadd.s32 $0xFFFFB9B0  }
0xa6: {  	[spmem:s16] =	stream.indirect.scatter.add.f32 [tilespmem:s6], [sflag:$0x5], $0x90, s3, s14, $0xb8;
	[tilespmem:$0x1F6A0] =	vst v63  }
0xa7: {  	_ =	swait.ge [sflag:s29], $0x4650  }
0xa8: {  	[sflag:s29] =	ssyncset.done $0x0  }
0xa9: {  	[sflag:s29] =	ssyncadd.s32 $0xFFFFB9B0  }
0xaa: {  	[bflag:$0x0] =	sbarrier.arrive $0xFFFF  }
0xab: {  	[tilespmem:s28], [sflag:$0x5] =	stream.linear.gather [spmem:s20], $0x4380, $0x38;
	[tilespmem:$0x1F6A0] =	vst v63  }
0xac: {  	_ =	swait.ge [sflag:s29], $0x4380  }
0xad: {  	[sflag:s29] =	ssyncset.done $0x0  }
0xae: {  	s9 =	rddreg [dreg:$0x8];
	[sflag:s29] =	ssyncadd.s32 $0xFFFFBC80  }
0xaf: {  	[hbm4b:s9+s1] =	stream.linear.scatter [tilespmem:s28], [sflag:$0x5], $0x4380, $0x38;
	[tilespmem:$0x1F6A0] =	vst v63  }
0xb0: {  	_ =	swait.ge [sflag:s29], $0x4380  }
0xb1: {  	[sflag:s29] =	ssyncset.done $0x0  }
0xb2: {  	[sflag:s29] =	ssyncadd.s32 $0xFFFFBC80  }
0xb3: {  	[tilespmem:s28], [sflag:$0x5] =	stream.linear.gather [spmem:s21], $0x4380, $0x38;
	[tilespmem:$0x1F6A0] =	vst v63  }
0xb4: {  	_ =	swait.ge [sflag:s29], $0x4380  }
0xb5: {  	[sflag:s29] =	ssyncset.done $0x0  }
0xb6: {  	s10 =	rddreg [dreg:$0x9];
	[sflag:s29] =	ssyncadd.s32 $0xFFFFBC80  }
0xb7: {  	[hbm4b:s10+s1] =	stream.linear.scatter [tilespmem:s28], [sflag:$0x5], $0x4380, $0x38;
	[tilespmem:$0x1F6A0] =	vst v63  }
0xb8: {  	_ =	swait.ge [sflag:s29], $0x4380  }
0xb9: {  	[sflag:s29] =	ssyncset.done $0x0  }
0xba: {  	[sflag:s29] =	ssyncadd.s32 $0xFFFFBC80  }
0xbb: {  	[tilespmem:s28], [sflag:$0x5] =	stream.linear.gather [spmem:s22], $0x4380, $0x38;
	[tilespmem:$0x1F6A0] =	vst v63  }
0xbc: {  	_ =	swait.ge [sflag:s29], $0x4380  }
0xbd: {  	[sflag:s29] =	ssyncset.done $0x0  }
0xbe: {  	s11 =	rddreg [dreg:$0xa];
	[sflag:s29] =	ssyncadd.s32 $0xFFFFBC80  }
0xbf: {  	[hbm4b:s11+s1] =	stream.linear.scatter [tilespmem:s28], [sflag:$0x5], $0x4380, $0x38;
	[tilespmem:$0x1F6A0] =	vst v63  }
0xc0: {  	_ =	swait.ge [sflag:s29], $0x4380  }
0xc1: {  	[sflag:s29] =	ssyncset.done $0x0  }
0xc2: {  	[sflag:s29] =	ssyncadd.s32 $0xFFFFBC80  }
0xc3: {  	[tilespmem:s28], [sflag:$0x5] =	stream.linear.gather [spmem:s23], $0x4380, $0x38;
	[tilespmem:$0x1F6A0] =	vst v63  }
0xc4: {  	_ =	swait.ge [sflag:s29], $0x4380  }
0xc5: {  	[sflag:s29] =	ssyncset.done $0x0  }
0xc6: {  	s10 =	rddreg [dreg:$0xb];
	[sflag:s29] =	ssyncadd.s32 $0xFFFFBC80  }
0xc7: {  	[hbm4b:s10+s1] =	stream.linear.scatter [tilespmem:s28], [sflag:$0x5], $0x4380, $0x38;
	[tilespmem:$0x1F6A0] =	vst v63  }
0xc8: {  	_ =	swait.ge [sflag:s29], $0x4380  }
0xc9: {  	[sflag:s29] =	ssyncset.done $0x0  }
0xca: {  	[sflag:s29] =	ssyncadd.s32 $0xFFFFBC80  }
0xcb: {  	[tilespmem:s28], [sflag:$0x5] =	stream.linear.gather [spmem:s24], $0x4380, $0x38;
	[tilespmem:$0x1F6A0] =	vst v63  }
0xcc: {  	_ =	swait.ge [sflag:s29], $0x4380  }
0xcd: {  	[sflag:s29] =	ssyncset.done $0x0  }
0xce: {  	s11 =	rddreg [dreg:$0xc];
	[sflag:s29] =	ssyncadd.s32 $0xFFFFBC80  }
0xcf: {  	[hbm4b:s11+s1] =	stream.linear.scatter [tilespmem:s28], [sflag:$0x5], $0x4380, $0x38;
	[tilespmem:$0x1F6A0] =	vst v63  }
0xd0: {  	_ =	swait.ge [sflag:s29], $0x4380  }
0xd1: {  	[sflag:s29] =	ssyncset.done $0x0  }
0xd2: {  	[sflag:s29] =	ssyncadd.s32 $0xFFFFBC80  }
0xd3: {  	[tilespmem:s28], [sflag:$0x5] =	stream.linear.gather [spmem:s25], $0x1680, $0x38;
	[tilespmem:$0x1F6A0] =	vst v63  }
0xd4: {  	s8 =	sadd.s32 $0x1, s8;
	_ =	swait.ge [sflag:s29], $0x1680  }
0xd5: {  	p0 =	sne.s32 s8, s26;
	[sflag:s29] =	ssyncset.done $0x0  }
.Ltmp1:
0xd6: {  	[sflag:s29] =	ssyncadd.s32 $0xFFFFE980;
	(pc) =	sbr.rel @p0 .LBB2_1-.Ltmp1, $4  }
0xd7: {  	[hbm4b:s12+s1] =	stream.linear.scatter [tilespmem:s28], [sflag:$0x5], $0x1680, $0x38;
	[tilespmem:$0x1F6A0] =	vst v63  }
0xd8: {  	_ =	swait.ge [sflag:s29], $0x1680  }
0xd9: {  	[sflag:s29] =	ssyncset.done $0x0  }
0xda: {  	[sflag:s29] =	ssyncadd.s32 $0xFFFFE980  }
0xdb: {  	_ =	sfence.sel $0x180000  }
0xdc: {  	[bflag:$0x0] =	sbarrier.arrive $0xFFFF  }
0xdd: {  	_ =	strace $0x9000004A  }
0xde: {  	s0 =	stileid.u32;
	[bflag:$0x2] =	sbarrier.arrive $0xFFFF  }
0xdf: {  	p0 =	sne.s32 s0, $0x0;
	s0 =	rddreg [dreg:$0x3]  }
0xe0: {  	s0 =	sadd.s32 @!p0 $0x100000, s0  }
0xe1: {  	[sflag:s0] =	ssyncadd.tile.s32 @!p0 $0x1;
	_ =	shalt  }
.Lfunc_end2:
_tile_overlayer_lowered:
.L_overlay_start_2:
0xe2: {  	(tag) =	ssettag $0x2  }
0xe3: {  	s0 =	rddreg [dreg:$0x0];
	s2 =	stileid.u32  }
0xe4: {  	s1 =	rddreg [dreg:$0x1];
	p0 =	sne.s32 s2, $0x0  }
0xe5: {  	s3 =	rddreg [dreg:$0x2];
	[bflag:$0x3] =	sbarrier.arrive $0xFFFF;
	s2 =	simm.s32 @!p0 $0x1C05  }
0xe6: {  	[timem:s3], [sflag:s2] =	dma.local @!p0 [hbm:s0], s1  }
0xe7: {  	s0 =	simm.s32 @!p0 $0x5  }
0xe8: {  	_ =	swait.ge @!p0 [sflag:s0], s1  }
0xe9: {  	s1 =	ssub.s32 @!p0 $0x0, s1;
	[sflag:s0] =	ssyncset.done @!p0 $0x0  }
0xea: {  	[sflag:s0] =	ssyncadd.s32 @!p0 s1  }
0xeb: {  	[bflag:$0x3] =	sbarrier.arrive $0xFFFF  }
0xec: {  	_ =	shalt  }

// kernel: kernel.7.cloned.1.call-start
scs
__scs_entry_jumppad:
0x0: {  	(pc) =	sbr.rel $0x88, $3  }
0x1: {  	(tag) =	ssettag $0x0;
	lr =	simm.s32 $0x1  }
0x2: {  	[smem:$0x3F9D] =	sst lr;
	_ =	strace $0xD0000000  }
0x3: {  	_ = 	snop  }
0x4: {  	_ = 	snop  }
0x5: {  	_ = 	snop  }
0x6: {  	_ = 	snop  }
0x7: {  	_ = 	snop  }
__scs_overlays_trampoline_lowered:
0x8: {  	[smem:$0x3FAC] =	sst s0  }
0x9: {  	[smem:$0x3FAD] =	sst s1  }
0xa: {  	[smem:$0x3FAE] =	sst s2  }
0xb: {  	[smem:$0x3FAF] =	sst s3  }
0xc: {  	[smem:$0x3FB0] =	sst s4  }
0xd: {  	[smem:$0x3FB1] =	sst s5  }
0xe: {  	[smem:$0x3FB2] =	sst s6  }
0xf: {  	[smem:$0x3FB3] =	sst s7  }
0x10: {  	[smem:$0x3FB4] =	sst s8  }
0x11: {  	[smem:$0x3FB5] =	sst s9;
	s0 =	simm.s32 @!p0 $0x0  }
0x12: {  	s1 =	sld [smem:$0x3F9B];
	s0 =	simm.s32 @p0 $0x1  }
0x13: {  	[smem:$0x3FB6] =	sst s0;
	s0 =	simm.s32 @!p1 $0x0  }
0x14: {  	s2 =	sld [smem:$0x3F9A];
	s0 =	simm.s32 @p1 $0x1  }
0x15: {  	[smem:$0x3FB7] =	sst s0;
	s0 =	simm.s32 @!p2 $0x0  }
0x16: {  	s3 =	sld [smem:$0x3FDB];
	s0 =	simm.s32 @p2 $0x1  }
0x17: {  	s4 =	simm.s32 $0x1BF5;
	[smem:$0x3FB9] =	sst s0  }
0x18: {  	s0 =	sld [smem:$0x3F9C];
	_ =	swait.ge [sflag:s4], $0x0  }
0x19: {  	s7 =	sld [smem:$0x3F9D]  }
0x1a: {  	s8 =	sadd.s32 $0xFFFFE003, lr  }
0x1b: {  	s9 =	sadd.s32 $0xFFFFFEF7, lr;
	s5 =	simm.s32 $0xFFFFFFFF;
	p2 =	slt.u32 s8, $0xFFFFF086  }
0x1c: {  	p1 =	slt.u32 s9, $0xF7A;
	s5 =	simm.s32 @!p2 $0x0  }
0x1d: {  	s5 =	simm.s32 @p1 $0x1;
	p0 =	seq.s32 s7, s2  }
0x1e: {  	s7 =	smul.u32 @!p0 $0xF7A, s2;
	p2 =	seq.s32 @!p0 s5, $0x0  }
0x1f: {  	s9 =	smul.u32 $0xF7A, s1;
	s8 =	simm.s32 @!p0 $0x1BF5;
	p2 =	por !p2, p0  }
0x20: {  	[sflag:s8] =	ssyncset.s32 @!p0 $0xFFFFF086;
	s6 =	sadd.s32 @!p0 s3, s7;
	s7 =	simm.s32 @!p0 $0x108  }
0x21: {  	s3 =	sadd.s32 s3, s9;
	s6 =	sadd.s32 @!p0 $0x88, s6;
	s7 =	simm.s32 @p2 $0x1082  }
0x22: {  	[simem:s7], [sflag:s8] =	dma.local @!p0 [hbm:s6], $0xF7A  }
0x23: {  	s9 =	sor.u32 $0xD0000000, s2;
	s6 =	simm.s32 $0x108;
	_ =	swait.ge @!p0 [sflag:s8], $0x0  }
0x24: {  	s3 =	sadd.s32 $0x88, s3;
	s6 =	simm.s32 @!p1 $0x1082;
	[sflag:s4] =	ssyncset.s32 $0xFFFFF086  }
0x25: {  	[simem:s6], [sflag:s4] =	dma.local [hbm:s3], $0xF7A  }
0x26: {  	[smem:$0x3F9D] =	sst s1;
	(tag) =	ssettag s2;
	_ =	strace s9  }
0x27: {  	s1 =	sld [smem:$0x3FAD]  }
0x28: {  	s2 =	sld [smem:$0x3FAE]  }
0x29: {  	s4 =	sld [smem:$0x3FB0]  }
0x2a: {  	p0 =	seq.s32 s5, $0x0;
	s5 =	sld [smem:$0x3FB1]  }
0x2b: {  	s6 =	sld [smem:$0x3FB2]  }
0x2c: {  	s7 =	sld [smem:$0x3FB3]  }
0x2d: {  	s3 =	simm.s32 $0x108;
	s8 =	sld [smem:$0x3FB4]  }
0x2e: {  	s3 =	simm.s32 @!p0 $0x1082;
	s9 =	sld [smem:$0x3FB5]  }
0x2f: {  	lr =	sadd.s32 s0, s3;
	s0 =	sld [smem:$0x3FAC]  }
0x30: {  	s3 =	sld [smem:$0x3FAF]  }
0x31: {  	[smem:$0x3FB8] =	sst s10  }
0x32: {  	s10 =	sld [smem:$0x3FB6];
	_ =	sdelay $0x3  }
0x33: {  	p0 =	seq.s32 s10, $0x1;
	s10 =	sld [smem:$0x3FB8];
	_ =	sdelay $0x3  }
0x34: {  	[smem:$0x3FB8] =	sst s10  }
0x35: {  	s10 =	sld [smem:$0x3FB7];
	_ =	sdelay $0x3  }
0x36: {  	p1 =	seq.s32 s10, $0x1;
	s10 =	sld [smem:$0x3FB8];
	_ =	sdelay $0x3  }
0x37: {  	[smem:$0x3FB8] =	sst s10  }
0x38: {  	s10 =	sld [smem:$0x3FB9]  }
0x39: {  	_ = 	snop;
	(pc) =	sbr.ind lr, $3  }
0x3a: {  	_ = 	snop  }
0x3b: {  	_ = 	snop  }
0x3c: {  	p2 =	seq.s32 s10, $0x1;
	s10 =	sld [smem:$0x3FB8]  }
0x3d: {  	_ =	shalt  }
0x3e: {  	_ =	shalt  }
0x3f: {  	_ =	shalt  }
0x40: {  	_ =	shalt  }
0x41: {  	_ =	shalt  }
0x42: {  	_ =	shalt  }
0x43: {  	_ =	shalt  }
0x44: {  	_ =	shalt  }
0x45: {  	_ =	shalt  }
0x46: {  	_ =	shalt  }
0x47: {  	_ =	shalt  }
0x48: {  	_ =	shalt  }
0x49: {  	_ =	shalt  }
0x4a: {  	_ =	shalt  }
0x4b: {  	_ =	shalt  }
0x4c: {  	_ =	shalt  }
0x4d: {  	_ =	shalt  }
0x4e: {  	_ =	shalt  }
0x4f: {  	_ =	shalt  }
0x50: {  	_ =	shalt  }
0x51: {  	_ =	shalt  }
0x52: {  	_ =	shalt  }
0x53: {  	_ =	shalt  }
0x54: {  	_ =	shalt  }
0x55: {  	_ =	shalt  }
0x56: {  	_ =	shalt  }
0x57: {  	_ =	shalt  }
0x58: {  	_ =	shalt  }
0x59: {  	_ =	shalt  }
0x5a: {  	_ =	shalt  }
0x5b: {  	_ =	shalt  }
0x5c: {  	_ =	shalt  }
0x5d: {  	_ =	shalt  }
0x5e: {  	_ =	shalt  }
0x5f: {  	_ =	shalt  }
0x60: {  	_ =	shalt  }
0x61: {  	_ =	shalt  }
0x62: {  	_ =	shalt  }
0x63: {  	_ =	shalt  }
0x64: {  	_ =	shalt  }
0x65: {  	_ =	shalt  }
0x66: {  	_ =	shalt  }
0x67: {  	_ =	shalt  }
0x68: {  	_ =	shalt  }
0x69: {  	_ =	shalt  }
0x6a: {  	_ =	shalt  }
0x6b: {  	_ =	shalt  }
0x6c: {  	_ =	shalt  }
0x6d: {  	_ =	shalt  }
0x6e: {  	_ =	shalt  }
0x6f: {  	_ =	shalt  }
0x70: {  	_ =	shalt  }
0x71: {  	_ =	shalt  }
0x72: {  	_ =	shalt  }
0x73: {  	_ =	shalt  }
0x74: {  	_ =	shalt  }
0x75: {  	_ =	shalt  }
0x76: {  	_ =	shalt  }
0x77: {  	_ =	shalt  }
0x78: {  	_ =	shalt  }
0x79: {  	_ =	shalt  }
0x7a: {  	_ =	shalt  }
0x7b: {  	_ =	shalt  }
0x7c: {  	_ =	shalt  }
0x7d: {  	_ =	shalt  }
0x7e: {  	_ =	shalt  }
0x7f: {  	_ =	shalt  }
0x80: {  	_ =	shalt  }
0x81: {  	_ =	shalt  }
0x82: {  	_ =	shalt  }
0x83: {  	_ =	shalt  }
0x84: {  	_ =	shalt  }
0x85: {  	_ =	shalt  }
0x86: {  	_ =	shalt  }
0x87: {  	_ =	shalt  }
.Lfunc_end0:
.L_simem_size_0:
called_computation_lowered:
.L_overlay_start_0:
0x88: {  	s2 =	sld [smem:$0x3FD9]  }
0x89: {  	s3 =	sld [smem:$0x3FFE];
	_ =	sdelay $0x1  }
0x8a: {  	s1 =	srdreg.scid  }
0x8b: {  	s0 =	sand.u32 $0x1, s1  }
0x8c: {  	s16 =	sshll.u32 s0, $0xA;
	s2 =	sadd.s32 s3, s2  }
0x8d: {  	s2 =	sadd.s32 s2, s16  }
0x8e: {  	[smem:$0x3FC4] =	sst s2  }
0x8f: {  	_ = 	snop  }
0x90: {  	(tm) =	ssettm $0x1  }
0x91: {  	s17 =	sld [smem:$0x3FFB];
	_ =	sdelay $0x3  }
0x92: {  	_ =	strace s17  }
0x93: {  	s2 =	sld [smem:$0x3FFC];
	_ =	sdelay $0x3  }
0x94: {  	_ =	strace s2  }
0x95: {  	s2 =	sld [smem:$0x3FFD];
	_ =	sdelay $0x3  }
0x96: {  	_ =	strace s2  }
0x97: {  	_ =	strace $0x8FFFFFFF  }
0x98: {  	s18 =	sld [smem:$0x3FDB];
	_ =	sdelay $0x1  }
0x99: {  	s19 =	simm.s32 $_scs_section_size  }
0x9a: {  	s4 =	simm.s32 $_size__tile_overlayer_lowered;
	s5 =	simm.s32 $_tile_overlayer_lowered  }
0x9b: {  	s22 =	simm.s32 $0x1BFF;
	s21 =	sshll.u32 s5, $0x1;
	s2 =	sadd.s32 s19, s18  }
0x9c: {  	s6 =	simm.s32 $0x0;
	s20 =	sshll.u32 s4, $0x1;
	s4 =	sadd.s32 s21, s2  }
0x9d: {  	[timem:s6], [sflag:s22] =	dma.local [hbm:s4], s20  }
0x9e: {  	_ =	swait.ge [sflag:s22], s20  }
0x9f: {  	s3 =	ssub.s32 $0x0, s20;
	[sflag:s22] =	ssyncset.done $0x0  }
0xa0: {  	[sflag:s22] =	ssyncadd.s32 s3;
	_ =	sdelay $0x1  }
0xa1: {  	s23 =	simm.s32 $0x1B8B  }
0xa2: {  	_ =	swait.ge [sflag:s23], $0x1  }
0xa3: {  	[sflag:s23] =	ssyncset.done $0x0  }
0xa4: {  	s25 =	simm.s32 $0x1B8E;
	s24 =	sld [smem:$0x3FFE];
	[sflag:s23] =	ssyncadd.s32 $0xFFFFFFFF  }
0xa5: {  	s26 =	simm.s32 $execute0_lowered;
	[smem:$0x3FD2] =	sst s25  }
0xa6: {  	s4 =	sshll.u32 s26, $0x1;
	_ =	strace $0x80000046;
	[dreg:$0x1] =	wrdreg $0xFFFFFFFF  }
0xa7: {  	s28 =	simm.s32 $_size_execute0_lowered;
	s2 =	sadd.s32 s2, s4;
	[dreg:$0x0] =	wrdreg $0x0  }
0xa8: {  	s4 =	sshll.u32 s28, $0x1;
	[dreg:$0x2] =	wrdreg s2  }
0xa9: {  	[dreg:$0x3] =	wrdreg s4  }
0xaa: {  	[dreg:$0x4] =	wrdreg $0xC0  }
0xab: {  	_ =	task [dreg:s6], $0x5FFFF  }
0xac: {  	[dreg:$0x1] =	wrdreg $0xFFFFFFFF  }
0xad: {  	[dreg:$0x0] =	wrdreg $0x60  }
0xae: {  	[dreg:$0x2] =	wrdreg s24  }
0xaf: {  	[dreg:$0x3] =	wrdreg $0xDCA00  }
0xb0: {  	[dreg:$0x4] =	wrdreg $0x9  }
0xb1: {  	_ =	task.clear_ibuf [dreg:s6], $0x5FFFF;
	_ =	strace $0x90000046  }
0xb2: {  	s29 =	simm.s32 $0x9;
	_ =	strace $0x80000048  }
0xb3: {  	_ =	swait.ge [sflag:s29], $0x1  }
0xb4: {  	[sflag:s29] =	ssyncadd.s32 $0xFFFFFFFF  }
0xb5: {  	_ =	strace $0x90000048  }
0xb6: {  	_ =	sfence  }
0xb7: {  	s30 =	sld [smem:$0x0];
	_ =	sdelay $0x2  }
0xb8: {  	s31 =	sshll.u32 s1, $0xD;
	s1 =	sshrl.u32 s1, $0x2  }
0xb9: {  	s3 =	sand.u32 $0x4000, s31;
	s1 =	sadd.s32 s1, s30  }
0xba: {  	s0 =	sor.u32 s3, s0;
	s1 =	sshll.u32 s1, $0x11  }
0xbb: {  	s0 =	sor.u32 s1, s0  }
0xbc: {  	s0 =	sadd.s32 $0x8F2B, s0  }
0xbd: {  	[sflag:s0] =	ssyncadd.remote.s32 $0x1  }
0xbe: {  	_ =	sfence.sel $0xFFFF  }
0xbf: {  	[dreg:$0x0] =	wrdreg $0xFFFFFFFF;
	(pc) =	sbr.abs _section_cstart, $3  }
0xc0: {  	[dreg:$0x1] =	wrdreg $0xFFFFFFFF  }
0xc1: {  	_ =	task.clear_ibuf [dreg:s6], $0x2FFFF;
	_ =	strace $0x9FFFFFFF  }
0xc2: {  	(tm) =	ssettm $0x7FFFFFFF  }
0xc3: {  	_ =	shalt  }
tec
execute0_lowered:
.L_overlay_start_1:
0x0: {  	(tag) =	ssettag $0x1  }
0x1: {  	s6 =	rddreg [dreg:$0x0];
	s1 =	srdreg.scid  }
0x2: {  	s0 =	stileid.u32;
	s2 =	rddreg [dreg:$0x1]  }
0x3: {  	s3 =	simm.s32 $0x0;
	s17 =	simm.s32 $0x5000;
	s18 =	simm.s32 $0x7D  }
0x4: {  	s19 =	simm.s32 $0x1;
	s20 =	simm.s32 $0x9650;
	s21 =	simm.s32 $0x2  }
0x5: {  	s22 =	simm.s32 $0x2780;
	s23 =	simm.s32 $0x4F00;
	s24 =	simm.s32 $0x4F80  }
0x6: {  	s25 =	simm.s32 $0x0;
	s8 =	sand.u32 $0x1, s1;
	s1 =	rddreg [dreg:$0x2]  }
0x7: {  	s4 =	sshll.u32 s0, $0x1;
	[smem:$0x7FF] =	sst s3;
	s11 =	smul.u32 $0xB400, s0  }
0x8: {  	s13 =	sadd.s32 $0x41600, s6;
	s4 =	sor.u32 s8, s4;
	s16 =	smul.u32 $0xB4000, s8  }
0x9: {  	_ =	strace $0x80000047;
	s9 =	ssub.s32 $0x2, s8;
	s5 =	smul.u32 $0x500, s4  }
0xa: {  	s4 =	sadd.s32 $0x14C00, s6;
	s31 =	sshrl.u32 s9, $0x1;
	s12 =	sadd.s32 $0x4380, s11  }
0xb: {  	s15 =	sadd.s32 $0x8700, s11;
	s8 =	sadd.s32 s11, s2;
	s14 =	ssub.s32 s9, s31  }
0xc: {  	s9 =	sadd.s32 s12, s2;
	s10 =	sadd.s32 s15, s2;
	s11 =	sadd.s32 s11, s16  }
0xd: {  	s12 =	sadd.s32 s16, s12;
	s15 =	sadd.s32 s16, s15;
	s16 =	simm.s32 $0x2800  }
0xe: {  	s7 =	sadd.s32 s5, s6;
	s5 =	sadd.s32 $0x40C00, s6;
	s11 =	sshrl.u32 s11, $0x3  }
0xf: {  	s12 =	sshrl.u32 s12, $0x3;
	s15 =	sshrl.u32 s15, $0x3;
	s14 =	smax.u32 s14, $0x1  }
0x10: {  	s6 =	sadd.s32 $0xAC00, s7;
	s7 =	sadd.s32 $0xC00, s7;
	s11 =	sadd.s32 s13, s11  }
0x11: {  	s12 =	sadd.s32 s13, s12;
	s13 =	sadd.s32 s13, s15;
	s15 =	simm.s32 $0x3  }
.LBB2_1:
0x12: {  	[tilespmem:s3], [sflag:$0x3] =	stream.linear.gather [hbm4b:s6+s3], $0x2800, $0x38;
	[tilespmem:$0x190A0] =	vst v63  }
0x13: {  	_ =	swait.ge [sflag:s15], $0x2800  }
0x14: {  	[sflag:s15] =	ssyncset.done $0x0  }
0x15: {  	[sflag:s15] =	ssyncadd.s32 $0xFFFFD800  }
0x16: {  	[tilespmem:s16], [sflag:$0x3] =	stream.linear.gather [hbm4b:s7+s3], $0x2800, $0x38;
	[tilespmem:$0x190A0] =	vst v63  }
0x17: {  	_ =	swait.ge [sflag:s15], $0x2800  }
0x18: {  	[sflag:s15] =	ssyncset.done $0x0  }
0x19: {  	[sflag:s15] =	ssyncadd.s32 $0xFFFFD800  }
0x1a: {  	[tilespmem:s17], [sflag:$0x3] =	stream.linear.gather [hbm4b:s5+s3], $0x4650, $0x38;
	[tilespmem:$0x190A0] =	vst v63  }
0x1b: {  	_ =	swait.ge [sflag:s15], $0x4650  }
0x1c: {  	[sflag:s15] =	ssyncset.done $0x0  }
0x1d: {  	[sflag:s15] =	ssyncadd.s32 $0xFFFFB9B0  }
0x1e: {  	[spmem:s8] =	stream.linear.scatter [tilespmem:s17], [sflag:$0x3], $0x4380, $0x38;
	[tilespmem:$0x190A0] =	vst v63  }
0x1f: {  	_ =	swait.ge [sflag:s15], $0x4380  }
0x20: {  	[sflag:s15] =	ssyncset.done $0x0  }
0x21: {  	[sflag:s15] =	ssyncadd.s32 $0xFFFFBC80  }
0x22: {  	[spmem:s9] =	stream.linear.scatter [tilespmem:s17], [sflag:$0x3], $0x4380, $0x38;
	[tilespmem:$0x190A0] =	vst v63  }
0x23: {  	_ =	swait.ge [sflag:s15], $0x4380  }
0x24: {  	[sflag:s15] =	ssyncset.done $0x0  }
0x25: {  	[sflag:s15] =	ssyncadd.s32 $0xFFFFBC80  }
0x26: {  	[spmem:s10] =	stream.linear.scatter [tilespmem:s17], [sflag:$0x3], $0x2D00, $0x38;
	[tilespmem:$0x190A0] =	vst v63  }
0x27: {  	_ =	swait.ge [sflag:s15], $0x2D00  }
0x28: {  	[sflag:s15] =	ssyncset.done $0x0  }
0x29: {  	[sflag:s15] =	ssyncadd.s32 $0xFFFFD300  }
0x2a: {  	[bflag:$0x0] =	sbarrier.arrive $0xFFFF  }
0x2b: {  	[tilespmem:s17], [sflag:$0x1] =	stream.indirect.gather [hbm4b:s4+s18], $0x90, s3, s18, $0xb8;
	[tilespmem:$0x190A0] =	vst v63  }
0x2c: {  	_ =	swait.ge [sflag:s19], $0x4650  }
0x2d: {  	[sflag:s19] =	ssyncset.done $0x0  }
0x2e: {  	s26 =	simm.s32 $0x80;
	[sflag:s19] =	ssyncadd.s32 $0xFFFFB9B0  }
0x2f: {  	[tilespmem:s20], [sflag:$0x2] =	stream.indirect.gather [hbm4b:s4+s18], $0x90, s26, s18, $0xb8;
	[tilespmem:$0x190A0] =	vst v63  }
0x30: {  	s29 =	simm.s32 $0x2800  }
0x31: {  	[spmem:s2] =	stream.indirect.scatter.add.f32 [tilespmem:s17], [sflag:$0x3], $0x90, s29, s18, $0xb8;
	[tilespmem:$0x190A0] =	vst v63  }
0x32: {  	_ =	swait.ge [sflag:s15], $0x4650  }
0x33: {  	[sflag:s15] =	ssyncset.done $0x0  }
0x34: {  	[sflag:s15] =	ssyncadd.s32 $0xFFFFB9B0  }
0x35: {  	_ =	swait.ge [sflag:s21], $0x4650  }
0x36: {  	[sflag:s21] =	ssyncset.done $0x0  }
0x37: {  	s30 =	simm.s32 $0x100;
	[sflag:s21] =	ssyncadd.s32 $0xFFFFB9B0  }
0x38: {  	[tilespmem:s17], [sflag:$0x1] =	stream.indirect.gather [hbm4b:s4+s18], $0x90, s30, s18, $0xb8;
	[tilespmem:$0x190A0] =	vst v63  }
0x39: {  	s31 =	simm.s32 $0x2880  }
0x3a: {  	[spmem:s2] =	stream.indirect.scatter.add.f32 [tilespmem:s20], [sflag:$0x3], $0x90, s31, s18, $0xb8;
	[tilespmem:$0x190A0] =	vst v63  }
0x3b: {  	_ =	swait.ge [sflag:s15], $0x4650  }
0x3c: {  	s26 =	simm.s32 $0x400;
	[sflag:s15] =	ssyncset.done $0x0  }
.LBB2_2:
0x3d: {  	p0 =	sne.s32 s26, $0x9800  }
0x3e: {  	[sflag:s15] =	ssyncadd.s32 $0xFFFFB9B0;
	s28 =	smov.u32 s26;
	s26 =	sadd.s32 $0x400, s26  }
0x3f: {  	_ = 	snop  }
0x40: {  	_ =	swait.ge [sflag:s19], $0x4650  }
0x41: {  	s28 =	sshra.s32 s28, $0x2;
	[sflag:s19] =	ssyncset.done $0x0  }
0x42: {  	s29 =	sadd.s32 $0x80, s28;
	[sflag:s19] =	ssyncadd.s32 $0xFFFFB9B0  }
0x43: {  	[tilespmem:s20], [sflag:$0x2] =	stream.indirect.gather [hbm4b:s4+s18], $0x90, s29, s18, $0xb8;
	[tilespmem:$0x190A0] =	vst v63  }
0x44: {  	s29 =	sadd.s32 $0x2800, s28  }
0x45: {  	[spmem:s2] =	stream.indirect.scatter.add.f32 [tilespmem:s17], [sflag:$0x3], $0x90, s29, s18, $0xb8;
	[tilespmem:$0x190A0] =	vst v63  }
0x46: {  	_ =	swait.ge [sflag:s15], $0x4650  }
0x47: {  	[sflag:s15] =	ssyncset.done $0x0  }
0x48: {  	[sflag:s15] =	ssyncadd.s32 $0xFFFFB9B0  }
0x49: {  	_ =	swait.ge [sflag:s21], $0x4650  }
0x4a: {  	[sflag:s21] =	ssyncset.done $0x0  }
0x4b: {  	s29 =	sadd.s32 $0x100, s28;
	[sflag:s21] =	ssyncadd.s32 $0xFFFFB9B0  }
0x4c: {  	[tilespmem:s17], [sflag:$0x1] =	stream.indirect.gather [hbm4b:s4+s18], $0x90, s29, s18, $0xb8;
	[tilespmem:$0x190A0] =	vst v63  }
.Ltmp0:
0x4d: {  	_ = 	snop;
	(pc) =	sbr.rel @p0 .LBB2_2-.Ltmp0, $4  }
0x4e: {  	s28 =	sadd.s32 $0x2880, s28  }
0x4f: {  	[spmem:s2] =	stream.indirect.scatter.add.f32 [tilespmem:s20], [sflag:$0x3], $0x90, s28, s18, $0xb8;
	[tilespmem:$0x190A0] =	vst v63  }
0x50: {  	_ =	swait.ge [sflag:s15], $0x4650  }
0x51: {  	[sflag:s15] =	ssyncset.done $0x0  }
0x52: {  	[sflag:s15] =	ssyncadd.s32 $0xFFFFB9B0  }
0x53: {  	_ =	swait.ge [sflag:s19], $0x4650  }
0x54: {  	[sflag:s19] =	ssyncset.done $0x0  }
0x55: {  	[sflag:s19] =	ssyncadd.s32 $0xFFFFB9B0  }
0x56: {  	[tilespmem:s20], [sflag:$0x2] =	stream.indirect.gather [hbm4b:s4+s18], $0x90, s22, s18, $0xb8;
	[tilespmem:$0x190A0] =	vst v63  }
0x57: {  	_ = 	snop  }
0x58: {  	[spmem:s2] =	stream.indirect.scatter.add.f32 [tilespmem:s17], [sflag:$0x3], $0x90, s23, s18, $0xb8;
	[tilespmem:$0x190A0] =	vst v63  }
0x59: {  	_ =	swait.ge [sflag:s15], $0x4650  }
0x5a: {  	[sflag:s15] =	ssyncset.done $0x0  }
0x5b: {  	[sflag:s15] =	ssyncadd.s32 $0xFFFFB9B0  }
0x5c: {  	_ =	swait.ge [sflag:s21], $0x4650  }
0x5d: {  	[sflag:s21] =	ssyncset.done $0x0  }
0x5e: {  	[sflag:s21] =	ssyncadd.s32 $0xFFFFB9B0  }
0x5f: {  	[spmem:s2] =	stream.indirect.scatter.add.f32 [tilespmem:s20], [sflag:$0x3], $0x90, s24, s18, $0xb8;
	[tilespmem:$0x190A0] =	vst v63  }
0x60: {  	_ =	swait.ge [sflag:s15], $0x4650  }
0x61: {  	[sflag:s15] =	ssyncset.done $0x0  }
0x62: {  	[sflag:s15] =	ssyncadd.s32 $0xFFFFB9B0  }
0x63: {  	[bflag:$0x0] =	sbarrier.arrive $0xFFFF  }
0x64: {  	[tilespmem:s17], [sflag:$0x3] =	stream.linear.gather [spmem:s8], $0x4380, $0x38;
	[tilespmem:$0x190A0] =	vst v63  }
0x65: {  	_ =	swait.ge [sflag:s15], $0x4380  }
0x66: {  	[sflag:s15] =	ssyncset.done $0x0  }
0x67: {  	[sflag:s15] =	ssyncadd.s32 $0xFFFFBC80  }
0x68: {  	[hbm4b:s11+s3] =	stream.linear.scatter [tilespmem:s17], [sflag:$0x3], $0x4380, $0x38;
	[tilespmem:$0x190A0] =	vst v63  }
0x69: {  	_ =	swait.ge [sflag:s15], $0x4380  }
0x6a: {  	[sflag:s15] =	ssyncset.done $0x0  }
0x6b: {  	[sflag:s15] =	ssyncadd.s32 $0xFFFFBC80  }
0x6c: {  	[tilespmem:s17], [sflag:$0x3] =	stream.linear.gather [spmem:s9], $0x4380, $0x38;
	[tilespmem:$0x190A0] =	vst v63  }
0x6d: {  	_ =	swait.ge [sflag:s15], $0x4380  }
0x6e: {  	[sflag:s15] =	ssyncset.done $0x0  }
0x6f: {  	[sflag:s15] =	ssyncadd.s32 $0xFFFFBC80  }
0x70: {  	[hbm4b:s12+s3] =	stream.linear.scatter [tilespmem:s17], [sflag:$0x3], $0x4380, $0x38;
	[tilespmem:$0x190A0] =	vst v63  }
0x71: {  	_ =	swait.ge [sflag:s15], $0x4380  }
0x72: {  	[sflag:s15] =	ssyncset.done $0x0  }
0x73: {  	[sflag:s15] =	ssyncadd.s32 $0xFFFFBC80  }
0x74: {  	[tilespmem:s17], [sflag:$0x3] =	stream.linear.gather [spmem:s10], $0x2D00, $0x38;
	[tilespmem:$0x190A0] =	vst v63  }
0x75: {  	s25 =	sadd.s32 $0x1, s25;
	_ =	swait.ge [sflag:s15], $0x2D00  }
0x76: {  	p0 =	sne.s32 s25, s14;
	[sflag:s15] =	ssyncset.done $0x0  }
.Ltmp1:
0x77: {  	[sflag:s15] =	ssyncadd.s32 $0xFFFFD300;
	(pc) =	sbr.rel @p0 .LBB2_1-.Ltmp1, $4  }
0x78: {  	[hbm4b:s13+s3] =	stream.linear.scatter [tilespmem:s17], [sflag:$0x3], $0x2D00, $0x38;
	[tilespmem:$0x190A0] =	vst v63  }
0x79: {  	_ =	swait.ge [sflag:s15], $0x2D00  }
0x7a: {  	[sflag:s15] =	ssyncset.done $0x0  }
0x7b: {  	[sflag:s15] =	ssyncadd.s32 $0xFFFFD300  }
0x7c: {  	_ =	sfence.sel $0x180000  }
0x7d: {  	[bflag:$0x0] =	sbarrier.arrive $0xFFFF  }
0x7e: {  	p0 =	sne.s32 s0, $0x0;
	_ =	strace $0x90000047  }
0x7f: {  	s0 =	sadd.s32 @!p0 $0x100000, s1;
	[bflag:$0x2] =	sbarrier.arrive $0xFFFF  }
0x80: {  	[sflag:s0] =	ssyncadd.tile.s32 @!p0 $0x1;
	_ =	shalt  }
.Lfunc_end2:
_tile_overlayer_lowered:
.L_overlay_start_2:
0x81: {  	(tag) =	ssettag $0x2  }
0x82: {  	s0 =	rddreg [dreg:$0x0];
	s2 =	stileid.u32  }
0x83: {  	s1 =	rddreg [dreg:$0x1];
	p0 =	sne.s32 s2, $0x0  }
0x84: {  	s3 =	rddreg [dreg:$0x2];
	[bflag:$0x3] =	sbarrier.arrive $0xFFFF;
	s2 =	simm.s32 @!p0 $0x1C03  }
0x85: {  	[timem:s3], [sflag:s2] =	dma.local @!p0 [hbm:s0], s1  }
0x86: {  	s0 =	simm.s32 @!p0 $0x3  }
0x87: {  	_ =	swait.ge @!p0 [sflag:s0], s1  }
0x88: {  	s1 =	ssub.s32 @!p0 $0x0, s1;
	[sflag:s0] =	ssyncset.done @!p0 $0x0  }
0x89: {  	[sflag:s0] =	ssyncadd.s32 @!p0 s1  }
0x8a: {  	[bflag:$0x3] =	sbarrier.arrive $0xFFFF  }
0x8b: {  	_ =	shalt  }

</sc_bundles>
